<compile_context>
chip_gen: v7x
topology: tpu7x:2x2x1
jax: 0.10.2.dev20260603
libtpu: 0.0.44.dev20260713+nightly
codegen_flags: <defaults>
</compile_context>

<pallas_src>
import jax
import jax.numpy as jnp
from jax import lax
from jax.experimental import pallas as pl
from jax.experimental.pallas import tpu as pltpu
from jax.experimental.pallas import tpu_sc as plsc

_M = 1_000_000
_D = 8
_NW = 32
_CW = 3_968
_NCHUNK = 252
_TAIL0 = _NCHUNK * _CW
_TAILW = _M - _TAIL0
_BW = 128
_NSLOT = 8
_NBUF = 4
_LAG = _NBUF // 2
_NUPD = 4


def _copy_body(x_hbm, out_hbm, b0, b1, b2, b3, rsems, wsems):
    wid = lax.axis_index("s") * 2 + lax.axis_index("c")
    bufs = (b0, b1, b2, b3)

    def chunk_id(k):
        return wid + k * _NW

    def valid(k):
        return chunk_id(k) < _NCHUNK

    def rd(k):
        b = k % _NBUF
        col0 = chunk_id(k) * _CW
        return pltpu.make_async_copy(
            x_hbm.at[:, pl.ds(col0, _CW)], bufs[b], rsems.at[b])

    def wr(k):
        b = k % _NBUF
        col0 = chunk_id(k) * _CW
        return pltpu.make_async_copy(
            bufs[b], out_hbm.at[:, pl.ds(col0, _CW)], wsems.at[b])

    for k in range(_LAG):
        pl.when(valid(k))(lambda k=k: rd(k).start())
    for k in range(_NSLOT):
        if k >= _LAG:
            pl.when(valid(k - _LAG))(lambda k=k: wr(k - _LAG).wait())
        if k + _LAG < _NSLOT:
            pl.when(valid(k + _LAG))(lambda k=k: rd(k + _LAG).start())

        def _proc(k=k):
            rd(k).wait()
            wr(k).start()

        pl.when(valid(k))(_proc)
    for k in range(_NSLOT - _LAG, _NSLOT):
        pl.when(valid(k))(lambda k=k: wr(k).wait())

    @pl.when(wid == _NW - 1)
    def _tail():
        toff = pl.multiple_of(_TAIL0 + 0 * wid, 128)
        tb = b0.at[:, pl.ds(0, 128)]
        pltpu.make_async_copy(x_hbm.at[:, pl.ds(toff, 128)], tb, rsems.at[0]).start()
        pltpu.make_async_copy(x_hbm.at[:, pl.ds(toff, 128)], tb, rsems.at[0]).wait()
        pltpu.make_async_copy(tb, out_hbm.at[:, pl.ds(toff, 128)], wsems.at[0]).start()
        pltpu.make_async_copy(tb, out_hbm.at[:, pl.ds(toff, 128)], wsems.at[0]).wait()


def _sc_copy(xt):
    mesh = plsc.VectorSubcoreMesh(
        core_axis_name="c", subcore_axis_name="s", num_cores=2, num_subcores=16
    )
    return pl.kernel(
        _copy_body,
        out_type=jax.ShapeDtypeStruct((_D, _M), jnp.float32),
        mesh=mesh,
        scratch_types=[
            pltpu.VMEM((_D, _CW), jnp.float32),
            pltpu.VMEM((_D, _CW), jnp.float32),
            pltpu.VMEM((_D, _CW), jnp.float32),
            pltpu.VMEM((_D, _CW), jnp.float32),
            pltpu.SemaphoreType.DMA((_NBUF,)),
            pltpu.SemaphoreType.DMA((_NBUF,)),
        ],
    )(xt)


def _fix_body(idx_ref, x_blk, updt_ref, out_blk):
    i = pl.program_id(0)
    bid = idx_ref[i] // _BW
    col = bid * _BW + lax.broadcasted_iota(jnp.int32, (_D, _BW), 1)
    acc = x_blk[...]
    for j in range(_NUPD):
        acc = acc + jnp.where(col == idx_ref[j], updt_ref[:, pl.ds(j, 1)], 0.0)
    out_blk[...] = acc


def _block_map(i, idx_ref):
    return (0, idx_ref[i] // _BW)


def _tc_fixup(tabt, updt, xt, index):
    grid_spec = pltpu.PrefetchScalarGridSpec(
        num_scalar_prefetch=1,
        grid=(_NUPD,),
        in_specs=[
            pl.BlockSpec((_D, _BW), _block_map),
            pl.BlockSpec((_D, _NUPD), lambda i, idx: (0, 0)),
        ],
        out_specs=pl.BlockSpec((_D, _BW), _block_map),
    )

    def body(idx_ref, x_blk, updt_ref, tab_ref, out_blk):
        del tab_ref
        _fix_body(idx_ref, x_blk, updt_ref, out_blk)

    grid_spec2 = pltpu.PrefetchScalarGridSpec(
        num_scalar_prefetch=1,
        grid=(_NUPD,),
        in_specs=[
            pl.BlockSpec((_D, _BW), _block_map),
            pl.BlockSpec((_D, _NUPD), lambda i, idx: (0, 0)),
            pl.BlockSpec(memory_space=pl.ANY),
        ],
        out_specs=pl.BlockSpec((_D, _BW), _block_map),
    )
    return pl.pallas_call(
        body,
        grid_spec=grid_spec2,
        out_shape=jax.ShapeDtypeStruct((_D, _M), jnp.float32),
        input_output_aliases={3: 0},
    )(index, xt, updt, tabt)


def kernel(x, update, index):
    xt = x.T
    fixed = _tc_fixup(_sc_copy(xt), update.T, xt, index)
    return fixed.T

# --- scband reference (transcript-rebuilt; emitter-appended) ---
"""Pipeline reference for scband-put-model-59176059405017 (READ-ONLY COPY).

The authoritative reference and input builder live on the scoring server;
editing this copy changes nothing except your own understanding.
"""

import jax, jax.numpy as jnp
import numpy as np


def setup_inputs(seed: int = 0) -> dict:
    key = jax.random.key(seed)
    k1, k2 = jax.random.split(key)
    # forward input: large memory table x of shape [M, 8]
    x = jax.random.normal(k1, (1000000, 8), dtype=jnp.float32)
    # module-internal learned/constant state (init: index_len=1, update_rank=2)
    update = jax.random.normal(k2, (4, 8), dtype=jnp.float32) * 30.0
    index = jnp.array([6, 2, 5, 5], dtype=jnp.int32)
    return {"x": x, "update": update, "index": index}


def reference(x, update, index):
    # torch: x.index_put_((index,), update, accumulate=True)
    # jax equivalent: scatter-add rows of `update` into `x` at `index`.
    # accumulate=True makes duplicate indices (5, 5) sum deterministically.
    out = x.at[index].add(update)
    return out

if __name__ == "__main__":
    import jax
    _d = setup_inputs()
    print(jax.jit(kernel)(*tuple(_d.values())))

</pallas_src>

<mosaic_0001>
#map = affine_map<(d0, d1) -> (0, 0)>
module attributes {stable_mosaic.version = 14 : i64} {
  func.func @_copy_body(%arg0: i32, %arg1: i32, %arg2: memref<8x1000000xf32, #tpu.memory_space<hbm>>, %arg3: memref<8x1000000xf32, #tpu.memory_space<hbm>>, %arg4: memref<8x3968xf32, #tpu.memory_space<vmem>>, %arg5: memref<8x3968xf32, #tpu.memory_space<vmem>>, %arg6: memref<8x3968xf32, #tpu.memory_space<vmem>>, %arg7: memref<8x3968xf32, #tpu.memory_space<vmem>>, %arg8: memref<4x!tpu.dma_semaphore, #tpu.memory_space<semaphore_mem>>, %arg9: memref<4x!tpu.dma_semaphore, #tpu.memory_space<semaphore_mem>>) attributes {dimension_semantics = [#tpu.dimension_semantics<core_parallel>, #tpu.dimension_semantics<subcore_parallel>], iteration_bounds = array<i64: 2, 16>, scalar_prefetch = 0 : i64, scratch_operands = 6 : i64, tpu.core_type = #tpu.core_type<sc_vector_subcore>, window_params = [{transform_indices = #map}, {transform_indices = #map}]} {
    %mul3A = arith.constant 2 : i32
    %mul3A_0 = arith.muli %arg1, %mul3A : i32
    %add3A = arith.addi %mul3A_0, %arg0 : i32
    %add3A_1 = arith.constant 0 : i32
    %add3A_2 = arith.addi %add3A, %add3A_1 : i32
    %lt3A = arith.constant 252 : i32
    %lt3A_3 = arith.cmpi slt, %add3A_2, %lt3A : i32
    %convert_element_type3A = arith.extui %lt3A_3 : i1 to i32
    %cond3A = arith.constant 0 : i32
    %cond3A_4 = arith.cmpi ne, %convert_element_type3A, %cond3A : i32
    scf.if %cond3A_4 {
      %add3A_170 = arith.constant 0 : i32
      %add3A_171 = arith.addi %add3A, %add3A_170 : i32
      %mul3A_172 = arith.constant 3968 : i32
      %mul3A_173 = arith.muli %add3A_171, %mul3A_172 : i32
      %dma_start3A = arith.constant 0 : i32
      %dma_start3A_174 = arith.constant 0 : i32
      %dma_start3A_175 = tpu.memref_slice %arg2[%dma_start3A_174, %mul3A_173] : memref<8x1000000xf32, #tpu.memory_space<hbm>> -> memref<8x3968xf32, #tpu.memory_space<hbm>>
      %dma_start3A_176 = tpu.memref_slice %arg8[%dma_start3A] : memref<4x!tpu.dma_semaphore, #tpu.memory_space<semaphore_mem>> -> memref<1x!tpu.dma_semaphore, #tpu.memory_space<semaphore_mem>>
      %dma_start3A_177 = tpu.memref_squeeze %dma_start3A_176 : memref<1x!tpu.dma_semaphore, #tpu.memory_space<semaphore_mem>> -> memref<!tpu.dma_semaphore, #tpu.memory_space<semaphore_mem>>
      %dma_start3A_178 = arith.constant 0 : i32
      %dma_start3A_179 = tpu.memref_slice %arg2[%dma_start3A_178, %mul3A_173] : memref<8x1000000xf32, #tpu.memory_space<hbm>> -> memref<8x3968xf32, #tpu.memory_space<hbm>>
      tpu.enqueue_dma source(%dma_start3A_179 : memref<8x3968xf32, #tpu.memory_space<hbm>>) target(%arg4 : memref<8x3968xf32, #tpu.memory_space<vmem>>) target_semaphore(%dma_start3A_177 : memref<!tpu.dma_semaphore, #tpu.memory_space<semaphore_mem>>)
    } else {
    }
    %add3A_5 = arith.constant 32 : i32
    %add3A_6 = arith.addi %add3A, %add3A_5 : i32
    %lt3A_7 = arith.constant 252 : i32
    %lt3A_8 = arith.cmpi slt, %add3A_6, %lt3A_7 : i32
    %convert_element_type3A_9 = arith.extui %lt3A_8 : i1 to i32
    %cond3A_10 = arith.constant 0 : i32
    %cond3A_11 = arith.cmpi ne, %convert_element_type3A_9, %cond3A_10 : i32
    scf.if %cond3A_11 {
      %add3A_170 = arith.constant 32 : i32
      %add3A_171 = arith.addi %add3A, %add3A_170 : i32
      %mul3A_172 = arith.constant 3968 : i32
      %mul3A_173 = arith.muli %add3A_171, %mul3A_172 : i32
      %dma_start3A = arith.constant 1 : i32
      %dma_start3A_174 = arith.constant 0 : i32
      %dma_start3A_175 = tpu.memref_slice %arg2[%dma_start3A_174, %mul3A_173] : memref<8x1000000xf32, #tpu.memory_space<hbm>> -> memref<8x3968xf32, #tpu.memory_space<hbm>>
      %dma_start3A_176 = tpu.memref_slice %arg8[%dma_start3A] : memref<4x!tpu.dma_semaphore, #tpu.memory_space<semaphore_mem>> -> memref<1x!tpu.dma_semaphore, #tpu.memory_space<semaphore_mem>>
      %dma_start3A_177 = tpu.memref_squeeze %dma_start3A_176 : memref<1x!tpu.dma_semaphore, #tpu.memory_space<semaphore_mem>> -> memref<!tpu.dma_semaphore, #tpu.memory_space<semaphore_mem>>
      %dma_start3A_178 = arith.constant 0 : i32
      %dma_start3A_179 = tpu.memref_slice %arg2[%dma_start3A_178, %mul3A_173] : memref<8x1000000xf32, #tpu.memory_space<hbm>> -> memref<8x3968xf32, #tpu.memory_space<hbm>>
      tpu.enqueue_dma source(%dma_start3A_179 : memref<8x3968xf32, #tpu.memory_space<hbm>>) target(%arg5 : memref<8x3968xf32, #tpu.memory_space<vmem>>) target_semaphore(%dma_start3A_177 : memref<!tpu.dma_semaphore, #tpu.memory_space<semaphore_mem>>)
    } else {
    }
    %add3A_12 = arith.constant 64 : i32
    %add3A_13 = arith.addi %add3A, %add3A_12 : i32
    %lt3A_14 = arith.constant 252 : i32
    %lt3A_15 = arith.cmpi slt, %add3A_13, %lt3A_14 : i32
    %convert_element_type3A_16 = arith.extui %lt3A_15 : i1 to i32
    %cond3A_17 = arith.constant 0 : i32
    %cond3A_18 = arith.cmpi ne, %convert_element_type3A_16, %cond3A_17 : i32
    scf.if %cond3A_18 {
      %add3A_170 = arith.constant 64 : i32
      %add3A_171 = arith.addi %add3A, %add3A_170 : i32
      %mul3A_172 = arith.constant 3968 : i32
      %mul3A_173 = arith.muli %add3A_171, %mul3A_172 : i32
      %dma_start3A = arith.constant 2 : i32
      %dma_start3A_174 = arith.constant 0 : i32
      %dma_start3A_175 = tpu.memref_slice %arg2[%dma_start3A_174, %mul3A_173] : memref<8x1000000xf32, #tpu.memory_space<hbm>> -> memref<8x3968xf32, #tpu.memory_space<hbm>>
      %dma_start3A_176 = tpu.memref_slice %arg8[%dma_start3A] : memref<4x!tpu.dma_semaphore, #tpu.memory_space<semaphore_mem>> -> memref<1x!tpu.dma_semaphore, #tpu.memory_space<semaphore_mem>>
      %dma_start3A_177 = tpu.memref_squeeze %dma_start3A_176 : memref<1x!tpu.dma_semaphore, #tpu.memory_space<semaphore_mem>> -> memref<!tpu.dma_semaphore, #tpu.memory_space<semaphore_mem>>
      %dma_start3A_178 = arith.constant 0 : i32
      %dma_start3A_179 = tpu.memref_slice %arg2[%dma_start3A_178, %mul3A_173] : memref<8x1000000xf32, #tpu.memory_space<hbm>> -> memref<8x3968xf32, #tpu.memory_space<hbm>>
      tpu.enqueue_dma source(%dma_start3A_179 : memref<8x3968xf32, #tpu.memory_space<hbm>>) target(%arg6 : memref<8x3968xf32, #tpu.memory_space<vmem>>) target_semaphore(%dma_start3A_177 : memref<!tpu.dma_semaphore, #tpu.memory_space<semaphore_mem>>)
    } else {
    }
    %add3A_19 = arith.constant 0 : i32
    %add3A_20 = arith.addi %add3A, %add3A_19 : i32
    %lt3A_21 = arith.constant 252 : i32
    %lt3A_22 = arith.cmpi slt, %add3A_20, %lt3A_21 : i32
    %convert_element_type3A_23 = arith.extui %lt3A_22 : i1 to i32
    %cond3A_24 = arith.constant 0 : i32
    %cond3A_25 = arith.cmpi ne, %convert_element_type3A_23, %cond3A_24 : i32
    scf.if %cond3A_25 {
      %add3A_170 = arith.constant 0 : i32
      %add3A_171 = arith.addi %add3A, %add3A_170 : i32
      %mul3A_172 = arith.constant 3968 : i32
      %mul3A_173 = arith.muli %add3A_171, %mul3A_172 : i32
      %dma_wait3A = arith.constant 0 : i32
      %dma_wait3A_174 = arith.constant 0 : i32
      %dma_wait3A_175 = tpu.memref_slice %arg2[%dma_wait3A_174, %mul3A_173] : memref<8x1000000xf32, #tpu.memory_space<hbm>> -> memref<8x3968xf32, #tpu.memory_space<hbm>>
      %dma_wait3A_176 = tpu.memref_slice %arg8[%dma_wait3A] : memref<4x!tpu.dma_semaphore, #tpu.memory_space<semaphore_mem>> -> memref<1x!tpu.dma_semaphore, #tpu.memory_space<semaphore_mem>>
      %dma_wait3A_177 = tpu.memref_squeeze %dma_wait3A_176 : memref<1x!tpu.dma_semaphore, #tpu.memory_space<semaphore_mem>> -> memref<!tpu.dma_semaphore, #tpu.memory_space<semaphore_mem>>
      %dma_wait3A_178 = arith.constant 0 : i32
      %dma_wait3A_179 = tpu.memref_slice %arg2[%dma_wait3A_178, %mul3A_173] : memref<8x1000000xf32, #tpu.memory_space<hbm>> -> memref<8x3968xf32, #tpu.memory_space<hbm>>
      tpu.wait_dma2 semaphore(%dma_wait3A_177 : memref<!tpu.dma_semaphore, #tpu.memory_space<semaphore_mem>>) src(%dma_wait3A_179 : memref<8x3968xf32, #tpu.memory_space<hbm>>) dst(%arg4 : memref<8x3968xf32, #tpu.memory_space<vmem>>)
      %add3A_180 = arith.constant 0 : i32
      %add3A_181 = arith.addi %add3A, %add3A_180 : i32
      %mul3A_182 = arith.constant 3968 : i32
      %mul3A_183 = arith.muli %add3A_181, %mul3A_182 : i32
      %dma_start3A = arith.constant 0 : i32
      %dma_start3A_184 = arith.constant 0 : i32
      %dma_start3A_185 = tpu.memref_slice %arg3[%dma_start3A_184, %mul3A_183] : memref<8x1000000xf32, #tpu.memory_space<hbm>> -> memref<8x3968xf32, #tpu.memory_space<hbm>>
      %dma_start3A_186 = tpu.memref_slice %arg9[%dma_start3A] : memref<4x!tpu.dma_semaphore, #tpu.memory_space<semaphore_mem>> -> memref<1x!tpu.dma_semaphore, #tpu.memory_space<semaphore_mem>>
      %dma_start3A_187 = tpu.memref_squeeze %dma_start3A_186 : memref<1x!tpu.dma_semaphore, #tpu.memory_space<semaphore_mem>> -> memref<!tpu.dma_semaphore, #tpu.memory_space<semaphore_mem>>
      %dma_start3A_188 = arith.constant 0 : i32
      %dma_start3A_189 = tpu.memref_slice %arg3[%dma_start3A_188, %mul3A_183] : memref<8x1000000xf32, #tpu.memory_space<hbm>> -> memref<8x3968xf32, #tpu.memory_space<hbm>>
      tpu.enqueue_dma source(%arg4 : memref<8x3968xf32, #tpu.memory_space<vmem>>) target(%dma_start3A_189 : memref<8x3968xf32, #tpu.memory_space<hbm>>) target_semaphore(%dma_start3A_187 : memref<!tpu.dma_semaphore, #tpu.memory_space<semaphore_mem>>)
    } else {
    }
    %add3A_26 = arith.constant 96 : i32
    %add3A_27 = arith.addi %add3A, %add3A_26 : i32
    %lt3A_28 = arith.constant 252 : i32
    %lt3A_29 = arith.cmpi slt, %add3A_27, %lt3A_28 : i32
    %convert_element_type3A_30 = arith.extui %lt3A_29 : i1 to i32
    %cond3A_31 = arith.constant 0 : i32
    %cond3A_32 = arith.cmpi ne, %convert_element_type3A_30, %cond3A_31 : i32
    scf.if %cond3A_32 {
      %add3A_170 = arith.constant 96 : i32
      %add3A_171 = arith.addi %add3A, %add3A_170 : i32
      %mul3A_172 = arith.constant 3968 : i32
      %mul3A_173 = arith.muli %add3A_171, %mul3A_172 : i32
      %dma_start3A = arith.constant 3 : i32
      %dma_start3A_174 = arith.constant 0 : i32
      %dma_start3A_175 = tpu.memref_slice %arg2[%dma_start3A_174, %mul3A_173] : memref<8x1000000xf32, #tpu.memory_space<hbm>> -> memref<8x3968xf32, #tpu.memory_space<hbm>>
      %dma_start3A_176 = tpu.memref_slice %arg8[%dma_start3A] : memref<4x!tpu.dma_semaphore, #tpu.memory_space<semaphore_mem>> -> memref<1x!tpu.dma_semaphore, #tpu.memory_space<semaphore_mem>>
      %dma_start3A_177 = tpu.memref_squeeze %dma_start3A_176 : memref<1x!tpu.dma_semaphore, #tpu.memory_space<semaphore_mem>> -> memref<!tpu.dma_semaphore, #tpu.memory_space<semaphore_mem>>
      %dma_start3A_178 = arith.constant 0 : i32
      %dma_start3A_179 = tpu.memref_slice %arg2[%dma_start3A_178, %mul3A_173] : memref<8x1000000xf32, #tpu.memory_space<hbm>> -> memref<8x3968xf32, #tpu.memory_space<hbm>>
      tpu.enqueue_dma source(%dma_start3A_179 : memref<8x3968xf32, #tpu.memory_space<hbm>>) target(%arg7 : memref<8x3968xf32, #tpu.memory_space<vmem>>) target_semaphore(%dma_start3A_177 : memref<!tpu.dma_semaphore, #tpu.memory_space<semaphore_mem>>)
    } else {
    }
    %add3A_33 = arith.constant 32 : i32
    %add3A_34 = arith.addi %add3A, %add3A_33 : i32
    %lt3A_35 = arith.constant 252 : i32
    %lt3A_36 = arith.cmpi slt, %add3A_34, %lt3A_35 : i32
    %convert_element_type3A_37 = arith.extui %lt3A_36 : i1 to i32
    %cond3A_38 = arith.constant 0 : i32
    %cond3A_39 = arith.cmpi ne, %convert_element_type3A_37, %cond3A_38 : i32
    scf.if %cond3A_39 {
      %add3A_170 = arith.constant 32 : i32
      %add3A_171 = arith.addi %add3A, %add3A_170 : i32
      %mul3A_172 = arith.constant 3968 : i32
      %mul3A_173 = arith.muli %add3A_171, %mul3A_172 : i32
      %dma_wait3A = arith.constant 1 : i32
      %dma_wait3A_174 = arith.constant 0 : i32
      %dma_wait3A_175 = tpu.memref_slice %arg2[%dma_wait3A_174, %mul3A_173] : memref<8x1000000xf32, #tpu.memory_space<hbm>> -> memref<8x3968xf32, #tpu.memory_space<hbm>>
      %dma_wait3A_176 = tpu.memref_slice %arg8[%dma_wait3A] : memref<4x!tpu.dma_semaphore, #tpu.memory_space<semaphore_mem>> -> memref<1x!tpu.dma_semaphore, #tpu.memory_space<semaphore_mem>>
      %dma_wait3A_177 = tpu.memref_squeeze %dma_wait3A_176 : memref<1x!tpu.dma_semaphore, #tpu.memory_space<semaphore_mem>> -> memref<!tpu.dma_semaphore, #tpu.memory_space<semaphore_mem>>
      %dma_wait3A_178 = arith.constant 0 : i32
      %dma_wait3A_179 = tpu.memref_slice %arg2[%dma_wait3A_178, %mul3A_173] : memref<8x1000000xf32, #tpu.memory_space<hbm>> -> memref<8x3968xf32, #tpu.memory_space<hbm>>
      tpu.wait_dma2 semaphore(%dma_wait3A_177 : memref<!tpu.dma_semaphore, #tpu.memory_space<semaphore_mem>>) src(%dma_wait3A_179 : memref<8x3968xf32, #tpu.memory_space<hbm>>) dst(%arg5 : memref<8x3968xf32, #tpu.memory_space<vmem>>)
      %add3A_180 = arith.constant 32 : i32
      %add3A_181 = arith.addi %add3A, %add3A_180 : i32
      %mul3A_182 = arith.constant 3968 : i32
      %mul3A_183 = arith.muli %add3A_181, %mul3A_182 : i32
      %dma_start3A = arith.constant 1 : i32
      %dma_start3A_184 = arith.constant 0 : i32
      %dma_start3A_185 = tpu.memref_slice %arg3[%dma_start3A_184, %mul3A_183] : memref<8x1000000xf32, #tpu.memory_space<hbm>> -> memref<8x3968xf32, #tpu.memory_space<hbm>>
      %dma_start3A_186 = tpu.memref_slice %arg9[%dma_start3A] : memref<4x!tpu.dma_semaphore, #tpu.memory_space<semaphore_mem>> -> memref<1x!tpu.dma_semaphore, #tpu.memory_space<semaphore_mem>>
      %dma_start3A_187 = tpu.memref_squeeze %dma_start3A_186 : memref<1x!tpu.dma_semaphore, #tpu.memory_space<semaphore_mem>> -> memref<!tpu.dma_semaphore, #tpu.memory_space<semaphore_mem>>
      %dma_start3A_188 = arith.constant 0 : i32
      %dma_start3A_189 = tpu.memref_slice %arg3[%dma_start3A_188, %mul3A_183] : memref<8x1000000xf32, #tpu.memory_space<hbm>> -> memref<8x3968xf32, #tpu.memory_space<hbm>>
      tpu.enqueue_dma source(%arg5 : memref<8x3968xf32, #tpu.memory_space<vmem>>) target(%dma_start3A_189 : memref<8x3968xf32, #tpu.memory_space<hbm>>) target_semaphore(%dma_start3A_187 : memref<!tpu.dma_semaphore, #tpu.memory_space<semaphore_mem>>)
    } else {
    }
    %add3A_40 = arith.constant 0 : i32
    %add3A_41 = arith.addi %add3A, %add3A_40 : i32
    %lt3A_42 = arith.constant 252 : i32
    %lt3A_43 = arith.cmpi slt, %add3A_41, %lt3A_42 : i32
    %convert_element_type3A_44 = arith.extui %lt3A_43 : i1 to i32
    %cond3A_45 = arith.constant 0 : i32
    %cond3A_46 = arith.cmpi ne, %convert_element_type3A_44, %cond3A_45 : i32
    scf.if %cond3A_46 {
      %add3A_170 = arith.constant 0 : i32
      %add3A_171 = arith.addi %add3A, %add3A_170 : i32
      %mul3A_172 = arith.constant 3968 : i32
      %mul3A_173 = arith.muli %add3A_171, %mul3A_172 : i32
      %dma_wait3A = arith.constant 0 : i32
      %dma_wait3A_174 = arith.constant 0 : i32
      %dma_wait3A_175 = tpu.memref_slice %arg3[%dma_wait3A_174, %mul3A_173] : memref<8x1000000xf32, #tpu.memory_space<hbm>> -> memref<8x3968xf32, #tpu.memory_space<hbm>>
      %dma_wait3A_176 = tpu.memref_slice %arg9[%dma_wait3A] : memref<4x!tpu.dma_semaphore, #tpu.memory_space<semaphore_mem>> -> memref<1x!tpu.dma_semaphore, #tpu.memory_space<semaphore_mem>>
      %dma_wait3A_177 = tpu.memref_squeeze %dma_wait3A_176 : memref<1x!tpu.dma_semaphore, #tpu.memory_space<semaphore_mem>> -> memref<!tpu.dma_semaphore, #tpu.memory_space<semaphore_mem>>
      %dma_wait3A_178 = arith.constant 0 : i32
      %dma_wait3A_179 = tpu.memref_slice %arg3[%dma_wait3A_178, %mul3A_173] : memref<8x1000000xf32, #tpu.memory_space<hbm>> -> memref<8x3968xf32, #tpu.memory_space<hbm>>
      tpu.wait_dma2 semaphore(%dma_wait3A_177 : memref<!tpu.dma_semaphore, #tpu.memory_space<semaphore_mem>>) src(%arg4 : memref<8x3968xf32, #tpu.memory_space<vmem>>) dst(%dma_wait3A_179 : memref<8x3968xf32, #tpu.memory_space<hbm>>)
    } else {
    }
    %add3A_47 = arith.constant 128 : i32
    %add3A_48 = arith.addi %add3A, %add3A_47 : i32
    %lt3A_49 = arith.constant 252 : i32
    %lt3A_50 = arith.cmpi slt, %add3A_48, %lt3A_49 : i32
    %convert_element_type3A_51 = arith.extui %lt3A_50 : i1 to i32
    %cond3A_52 = arith.constant 0 : i32
    %cond3A_53 = arith.cmpi ne, %convert_element_type3A_51, %cond3A_52 : i32
    scf.if %cond3A_53 {
      %add3A_170 = arith.constant 128 : i32
      %add3A_171 = arith.addi %add3A, %add3A_170 : i32
      %mul3A_172 = arith.constant 3968 : i32
      %mul3A_173 = arith.muli %add3A_171, %mul3A_172 : i32
      %dma_start3A = arith.constant 0 : i32
      %dma_start3A_174 = arith.constant 0 : i32
      %dma_start3A_175 = tpu.memref_slice %arg2[%dma_start3A_174, %mul3A_173] : memref<8x1000000xf32, #tpu.memory_space<hbm>> -> memref<8x3968xf32, #tpu.memory_space<hbm>>
      %dma_start3A_176 = tpu.memref_slice %arg8[%dma_start3A] : memref<4x!tpu.dma_semaphore, #tpu.memory_space<semaphore_mem>> -> memref<1x!tpu.dma_semaphore, #tpu.memory_space<semaphore_mem>>
      %dma_start3A_177 = tpu.memref_squeeze %dma_start3A_176 : memref<1x!tpu.dma_semaphore, #tpu.memory_space<semaphore_mem>> -> memref<!tpu.dma_semaphore, #tpu.memory_space<semaphore_mem>>
      %dma_start3A_178 = arith.constant 0 : i32
      %dma_start3A_179 = tpu.memref_slice %arg2[%dma_start3A_178, %mul3A_173] : memref<8x1000000xf32, #tpu.memory_space<hbm>> -> memref<8x3968xf32, #tpu.memory_space<hbm>>
      tpu.enqueue_dma source(%dma_start3A_179 : memref<8x3968xf32, #tpu.memory_space<hbm>>) target(%arg4 : memref<8x3968xf32, #tpu.memory_space<vmem>>) target_semaphore(%dma_start3A_177 : memref<!tpu.dma_semaphore, #tpu.memory_space<semaphore_mem>>)
    } else {
    }
    %add3A_54 = arith.constant 64 : i32
    %add3A_55 = arith.addi %add3A, %add3A_54 : i32
    %lt3A_56 = arith.constant 252 : i32
    %lt3A_57 = arith.cmpi slt, %add3A_55, %lt3A_56 : i32
    %convert_element_type3A_58 = arith.extui %lt3A_57 : i1 to i32
    %cond3A_59 = arith.constant 0 : i32
    %cond3A_60 = arith.cmpi ne, %convert_element_type3A_58, %cond3A_59 : i32
    scf.if %cond3A_60 {
      %add3A_170 = arith.constant 64 : i32
      %add3A_171 = arith.addi %add3A, %add3A_170 : i32
      %mul3A_172 = arith.constant 3968 : i32
      %mul3A_173 = arith.muli %add3A_171, %mul3A_172 : i32
      %dma_wait3A = arith.constant 2 : i32
      %dma_wait3A_174 = arith.constant 0 : i32
      %dma_wait3A_175 = tpu.memref_slice %arg2[%dma_wait3A_174, %mul3A_173] : memref<8x1000000xf32, #tpu.memory_space<hbm>> -> memref<8x3968xf32, #tpu.memory_space<hbm>>
      %dma_wait3A_176 = tpu.memref_slice %arg8[%dma_wait3A] : memref<4x!tpu.dma_semaphore, #tpu.memory_space<semaphore_mem>> -> memref<1x!tpu.dma_semaphore, #tpu.memory_space<semaphore_mem>>
      %dma_wait3A_177 = tpu.memref_squeeze %dma_wait3A_176 : memref<1x!tpu.dma_semaphore, #tpu.memory_space<semaphore_mem>> -> memref<!tpu.dma_semaphore, #tpu.memory_space<semaphore_mem>>
      %dma_wait3A_178 = arith.constant 0 : i32
      %dma_wait3A_179 = tpu.memref_slice %arg2[%dma_wait3A_178, %mul3A_173] : memref<8x1000000xf32, #tpu.memory_space<hbm>> -> memref<8x3968xf32, #tpu.memory_space<hbm>>
      tpu.wait_dma2 semaphore(%dma_wait3A_177 : memref<!tpu.dma_semaphore, #tpu.memory_space<semaphore_mem>>) src(%dma_wait3A_179 : memref<8x3968xf32, #tpu.memory_space<hbm>>) dst(%arg6 : memref<8x3968xf32, #tpu.memory_space<vmem>>)
      %add3A_180 = arith.constant 64 : i32
      %add3A_181 = arith.addi %add3A, %add3A_180 : i32
      %mul3A_182 = arith.constant 3968 : i32
      %mul3A_183 = arith.muli %add3A_181, %mul3A_182 : i32
      %dma_start3A = arith.constant 2 : i32
      %dma_start3A_184 = arith.constant 0 : i32
      %dma_start3A_185 = tpu.memref_slice %arg3[%dma_start3A_184, %mul3A_183] : memref<8x1000000xf32, #tpu.memory_space<hbm>> -> memref<8x3968xf32, #tpu.memory_space<hbm>>
      %dma_start3A_186 = tpu.memref_slice %arg9[%dma_start3A] : memref<4x!tpu.dma_semaphore, #tpu.memory_space<semaphore_mem>> -> memref<1x!tpu.dma_semaphore, #tpu.memory_space<semaphore_mem>>
      %dma_start3A_187 = tpu.memref_squeeze %dma_start3A_186 : memref<1x!tpu.dma_semaphore, #tpu.memory_space<semaphore_mem>> -> memref<!tpu.dma_semaphore, #tpu.memory_space<semaphore_mem>>
      %dma_start3A_188 = arith.constant 0 : i32
      %dma_start3A_189 = tpu.memref_slice %arg3[%dma_start3A_188, %mul3A_183] : memref<8x1000000xf32, #tpu.memory_space<hbm>> -> memref<8x3968xf32, #tpu.memory_space<hbm>>
      tpu.enqueue_dma source(%arg6 : memref<8x3968xf32, #tpu.memory_space<vmem>>) target(%dma_start3A_189 : memref<8x3968xf32, #tpu.memory_space<hbm>>) target_semaphore(%dma_start3A_187 : memref<!tpu.dma_semaphore, #tpu.memory_space<semaphore_mem>>)
    } else {
    }
    %add3A_61 = arith.constant 32 : i32
    %add3A_62 = arith.addi %add3A, %add3A_61 : i32
    %lt3A_63 = arith.constant 252 : i32
    %lt3A_64 = arith.cmpi slt, %add3A_62, %lt3A_63 : i32
    %convert_element_type3A_65 = arith.extui %lt3A_64 : i1 to i32
    %cond3A_66 = arith.constant 0 : i32
    %cond3A_67 = arith.cmpi ne, %convert_element_type3A_65, %cond3A_66 : i32
    scf.if %cond3A_67 {
      %add3A_170 = arith.constant 32 : i32
      %add3A_171 = arith.addi %add3A, %add3A_170 : i32
      %mul3A_172 = arith.constant 3968 : i32
      %mul3A_173 = arith.muli %add3A_171, %mul3A_172 : i32
      %dma_wait3A = arith.constant 1 : i32
      %dma_wait3A_174 = arith.constant 0 : i32
      %dma_wait3A_175 = tpu.memref_slice %arg3[%dma_wait3A_174, %mul3A_173] : memref<8x1000000xf32, #tpu.memory_space<hbm>> -> memref<8x3968xf32, #tpu.memory_space<hbm>>
      %dma_wait3A_176 = tpu.memref_slice %arg9[%dma_wait3A] : memref<4x!tpu.dma_semaphore, #tpu.memory_space<semaphore_mem>> -> memref<1x!tpu.dma_semaphore, #tpu.memory_space<semaphore_mem>>
      %dma_wait3A_177 = tpu.memref_squeeze %dma_wait3A_176 : memref<1x!tpu.dma_semaphore, #tpu.memory_space<semaphore_mem>> -> memref<!tpu.dma_semaphore, #tpu.memory_space<semaphore_mem>>
      %dma_wait3A_178 = arith.constant 0 : i32
      %dma_wait3A_179 = tpu.memref_slice %arg3[%dma_wait3A_178, %mul3A_173] : memref<8x1000000xf32, #tpu.memory_space<hbm>> -> memref<8x3968xf32, #tpu.memory_space<hbm>>
      tpu.wait_dma2 semaphore(%dma_wait3A_177 : memref<!tpu.dma_semaphore, #tpu.memory_space<semaphore_mem>>) src(%arg5 : memref<8x3968xf32, #tpu.memory_space<vmem>>) dst(%dma_wait3A_179 : memref<8x3968xf32, #tpu.memory_space<hbm>>)
    } else {
    }
    %add3A_68 = arith.constant 160 : i32
    %add3A_69 = arith.addi %add3A, %add3A_68 : i32
    %lt3A_70 = arith.constant 252 : i32
    %lt3A_71 = arith.cmpi slt, %add3A_69, %lt3A_70 : i32
    %convert_element_type3A_72 = arith.extui %lt3A_71 : i1 to i32
    %cond3A_73 = arith.constant 0 : i32
    %cond3A_74 = arith.cmpi ne, %convert_element_type3A_72, %cond3A_73 : i32
    scf.if %cond3A_74 {
      %add3A_170 = arith.constant 160 : i32
      %add3A_171 = arith.addi %add3A, %add3A_170 : i32
      %mul3A_172 = arith.constant 3968 : i32
      %mul3A_173 = arith.muli %add3A_171, %mul3A_172 : i32
      %dma_start3A = arith.constant 1 : i32
      %dma_start3A_174 = arith.constant 0 : i32
      %dma_start3A_175 = tpu.memref_slice %arg2[%dma_start3A_174, %mul3A_173] : memref<8x1000000xf32, #tpu.memory_space<hbm>> -> memref<8x3968xf32, #tpu.memory_space<hbm>>
      %dma_start3A_176 = tpu.memref_slice %arg8[%dma_start3A] : memref<4x!tpu.dma_semaphore, #tpu.memory_space<semaphore_mem>> -> memref<1x!tpu.dma_semaphore, #tpu.memory_space<semaphore_mem>>
      %dma_start3A_177 = tpu.memref_squeeze %dma_start3A_176 : memref<1x!tpu.dma_semaphore, #tpu.memory_space<semaphore_mem>> -> memref<!tpu.dma_semaphore, #tpu.memory_space<semaphore_mem>>
      %dma_start3A_178 = arith.constant 0 : i32
      %dma_start3A_179 = tpu.memref_slice %arg2[%dma_start3A_178, %mul3A_173] : memref<8x1000000xf32, #tpu.memory_space<hbm>> -> memref<8x3968xf32, #tpu.memory_space<hbm>>
      tpu.enqueue_dma source(%dma_start3A_179 : memref<8x3968xf32, #tpu.memory_space<hbm>>) target(%arg5 : memref<8x3968xf32, #tpu.memory_space<vmem>>) target_semaphore(%dma_start3A_177 : memref<!tpu.dma_semaphore, #tpu.memory_space<semaphore_mem>>)
    } else {
    }
    %add3A_75 = arith.constant 96 : i32
    %add3A_76 = arith.addi %add3A, %add3A_75 : i32
    %lt3A_77 = arith.constant 252 : i32
    %lt3A_78 = arith.cmpi slt, %add3A_76, %lt3A_77 : i32
    %convert_element_type3A_79 = arith.extui %lt3A_78 : i1 to i32
    %cond3A_80 = arith.constant 0 : i32
    %cond3A_81 = arith.cmpi ne, %convert_element_type3A_79, %cond3A_80 : i32
    scf.if %cond3A_81 {
      %add3A_170 = arith.constant 96 : i32
      %add3A_171 = arith.addi %add3A, %add3A_170 : i32
      %mul3A_172 = arith.constant 3968 : i32
      %mul3A_173 = arith.muli %add3A_171, %mul3A_172 : i32
      %dma_wait3A = arith.constant 3 : i32
      %dma_wait3A_174 = arith.constant 0 : i32
      %dma_wait3A_175 = tpu.memref_slice %arg2[%dma_wait3A_174, %mul3A_173] : memref<8x1000000xf32, #tpu.memory_space<hbm>> -> memref<8x3968xf32, #tpu.memory_space<hbm>>
      %dma_wait3A_176 = tpu.memref_slice %arg8[%dma_wait3A] : memref<4x!tpu.dma_semaphore, #tpu.memory_space<semaphore_mem>> -> memref<1x!tpu.dma_semaphore, #tpu.memory_space<semaphore_mem>>
      %dma_wait3A_177 = tpu.memref_squeeze %dma_wait3A_176 : memref<1x!tpu.dma_semaphore, #tpu.memory_space<semaphore_mem>> -> memref<!tpu.dma_semaphore, #tpu.memory_space<semaphore_mem>>
      %dma_wait3A_178 = arith.constant 0 : i32
      %dma_wait3A_179 = tpu.memref_slice %arg2[%dma_wait3A_178, %mul3A_173] : memref<8x1000000xf32, #tpu.memory_space<hbm>> -> memref<8x3968xf32, #tpu.memory_space<hbm>>
      tpu.wait_dma2 semaphore(%dma_wait3A_177 : memref<!tpu.dma_semaphore, #tpu.memory_space<semaphore_mem>>) src(%dma_wait3A_179 : memref<8x3968xf32, #tpu.memory_space<hbm>>) dst(%arg7 : memref<8x3968xf32, #tpu.memory_space<vmem>>)
      %add3A_180 = arith.constant 96 : i32
      %add3A_181 = arith.addi %add3A, %add3A_180 : i32
      %mul3A_182 = arith.constant 3968 : i32
      %mul3A_183 = arith.muli %add3A_181, %mul3A_182 : i32
      %dma_start3A = arith.constant 3 : i32
      %dma_start3A_184 = arith.constant 0 : i32
      %dma_start3A_185 = tpu.memref_slice %arg3[%dma_start3A_184, %mul3A_183] : memref<8x1000000xf32, #tpu.memory_space<hbm>> -> memref<8x3968xf32, #tpu.memory_space<hbm>>
      %dma_start3A_186 = tpu.memref_slice %arg9[%dma_start3A] : memref<4x!tpu.dma_semaphore, #tpu.memory_space<semaphore_mem>> -> memref<1x!tpu.dma_semaphore, #tpu.memory_space<semaphore_mem>>
      %dma_start3A_187 = tpu.memref_squeeze %dma_start3A_186 : memref<1x!tpu.dma_semaphore, #tpu.memory_space<semaphore_mem>> -> memref<!tpu.dma_semaphore, #tpu.memory_space<semaphore_mem>>
      %dma_start3A_188 = arith.constant 0 : i32
      %dma_start3A_189 = tpu.memref_slice %arg3[%dma_start3A_188, %mul3A_183] : memref<8x1000000xf32, #tpu.memory_space<hbm>> -> memref<8x3968xf32, #tpu.memory_space<hbm>>
      tpu.enqueue_dma source(%arg7 : memref<8x3968xf32, #tpu.memory_space<vmem>>) target(%dma_start3A_189 : memref<8x3968xf32, #tpu.memory_space<hbm>>) target_semaphore(%dma_start3A_187 : memref<!tpu.dma_semaphore, #tpu.memory_space<semaphore_mem>>)
    } else {
    }
    %add3A_82 = arith.constant 64 : i32
    %add3A_83 = arith.addi %add3A, %add3A_82 : i32
    %lt3A_84 = arith.constant 252 : i32
    %lt3A_85 = arith.cmpi slt, %add3A_83, %lt3A_84 : i32
    %convert_element_type3A_86 = arith.extui %lt3A_85 : i1 to i32
    %cond3A_87 = arith.constant 0 : i32
    %cond3A_88 = arith.cmpi ne, %convert_element_type3A_86, %cond3A_87 : i32
    scf.if %cond3A_88 {
      %add3A_170 = arith.constant 64 : i32
      %add3A_171 = arith.addi %add3A, %add3A_170 : i32
      %mul3A_172 = arith.constant 3968 : i32
      %mul3A_173 = arith.muli %add3A_171, %mul3A_172 : i32
      %dma_wait3A = arith.constant 2 : i32
      %dma_wait3A_174 = arith.constant 0 : i32
      %dma_wait3A_175 = tpu.memref_slice %arg3[%dma_wait3A_174, %mul3A_173] : memref<8x1000000xf32, #tpu.memory_space<hbm>> -> memref<8x3968xf32, #tpu.memory_space<hbm>>
      %dma_wait3A_176 = tpu.memref_slice %arg9[%dma_wait3A] : memref<4x!tpu.dma_semaphore, #tpu.memory_space<semaphore_mem>> -> memref<1x!tpu.dma_semaphore, #tpu.memory_space<semaphore_mem>>
      %dma_wait3A_177 = tpu.memref_squeeze %dma_wait3A_176 : memref<1x!tpu.dma_semaphore, #tpu.memory_space<semaphore_mem>> -> memref<!tpu.dma_semaphore, #tpu.memory_space<semaphore_mem>>
      %dma_wait3A_178 = arith.constant 0 : i32
      %dma_wait3A_179 = tpu.memref_slice %arg3[%dma_wait3A_178, %mul3A_173] : memref<8x1000000xf32, #tpu.memory_space<hbm>> -> memref<8x3968xf32, #tpu.memory_space<hbm>>
      tpu.wait_dma2 semaphore(%dma_wait3A_177 : memref<!tpu.dma_semaphore, #tpu.memory_space<semaphore_mem>>) src(%arg6 : memref<8x3968xf32, #tpu.memory_space<vmem>>) dst(%dma_wait3A_179 : memref<8x3968xf32, #tpu.memory_space<hbm>>)
    } else {
    }
    %add3A_89 = arith.constant 192 : i32
    %add3A_90 = arith.addi %add3A, %add3A_89 : i32
    %lt3A_91 = arith.constant 252 : i32
    %lt3A_92 = arith.cmpi slt, %add3A_90, %lt3A_91 : i32
    %convert_element_type3A_93 = arith.extui %lt3A_92 : i1 to i32
    %cond3A_94 = arith.constant 0 : i32
    %cond3A_95 = arith.cmpi ne, %convert_element_type3A_93, %cond3A_94 : i32
    scf.if %cond3A_95 {
      %add3A_170 = arith.constant 192 : i32
      %add3A_171 = arith.addi %add3A, %add3A_170 : i32
      %mul3A_172 = arith.constant 3968 : i32
      %mul3A_173 = arith.muli %add3A_171, %mul3A_172 : i32
      %dma_start3A = arith.constant 2 : i32
      %dma_start3A_174 = arith.constant 0 : i32
      %dma_start3A_175 = tpu.memref_slice %arg2[%dma_start3A_174, %mul3A_173] : memref<8x1000000xf32, #tpu.memory_space<hbm>> -> memref<8x3968xf32, #tpu.memory_space<hbm>>
      %dma_start3A_176 = tpu.memref_slice %arg8[%dma_start3A] : memref<4x!tpu.dma_semaphore, #tpu.memory_space<semaphore_mem>> -> memref<1x!tpu.dma_semaphore, #tpu.memory_space<semaphore_mem>>
      %dma_start3A_177 = tpu.memref_squeeze %dma_start3A_176 : memref<1x!tpu.dma_semaphore, #tpu.memory_space<semaphore_mem>> -> memref<!tpu.dma_semaphore, #tpu.memory_space<semaphore_mem>>
      %dma_start3A_178 = arith.constant 0 : i32
      %dma_start3A_179 = tpu.memref_slice %arg2[%dma_start3A_178, %mul3A_173] : memref<8x1000000xf32, #tpu.memory_space<hbm>> -> memref<8x3968xf32, #tpu.memory_space<hbm>>
      tpu.enqueue_dma source(%dma_start3A_179 : memref<8x3968xf32, #tpu.memory_space<hbm>>) target(%arg6 : memref<8x3968xf32, #tpu.memory_space<vmem>>) target_semaphore(%dma_start3A_177 : memref<!tpu.dma_semaphore, #tpu.memory_space<semaphore_mem>>)
    } else {
    }
    %add3A_96 = arith.constant 128 : i32
    %add3A_97 = arith.addi %add3A, %add3A_96 : i32
    %lt3A_98 = arith.constant 252 : i32
    %lt3A_99 = arith.cmpi slt, %add3A_97, %lt3A_98 : i32
    %convert_element_type3A_100 = arith.extui %lt3A_99 : i1 to i32
    %cond3A_101 = arith.constant 0 : i32
    %cond3A_102 = arith.cmpi ne, %convert_element_type3A_100, %cond3A_101 : i32
    scf.if %cond3A_102 {
      %add3A_170 = arith.constant 128 : i32
      %add3A_171 = arith.addi %add3A, %add3A_170 : i32
      %mul3A_172 = arith.constant 3968 : i32
      %mul3A_173 = arith.muli %add3A_171, %mul3A_172 : i32
      %dma_wait3A = arith.constant 0 : i32
      %dma_wait3A_174 = arith.constant 0 : i32
      %dma_wait3A_175 = tpu.memref_slice %arg2[%dma_wait3A_174, %mul3A_173] : memref<8x1000000xf32, #tpu.memory_space<hbm>> -> memref<8x3968xf32, #tpu.memory_space<hbm>>
      %dma_wait3A_176 = tpu.memref_slice %arg8[%dma_wait3A] : memref<4x!tpu.dma_semaphore, #tpu.memory_space<semaphore_mem>> -> memref<1x!tpu.dma_semaphore, #tpu.memory_space<semaphore_mem>>
      %dma_wait3A_177 = tpu.memref_squeeze %dma_wait3A_176 : memref<1x!tpu.dma_semaphore, #tpu.memory_space<semaphore_mem>> -> memref<!tpu.dma_semaphore, #tpu.memory_space<semaphore_mem>>
      %dma_wait3A_178 = arith.constant 0 : i32
      %dma_wait3A_179 = tpu.memref_slice %arg2[%dma_wait3A_178, %mul3A_173] : memref<8x1000000xf32, #tpu.memory_space<hbm>> -> memref<8x3968xf32, #tpu.memory_space<hbm>>
      tpu.wait_dma2 semaphore(%dma_wait3A_177 : memref<!tpu.dma_semaphore, #tpu.memory_space<semaphore_mem>>) src(%dma_wait3A_179 : memref<8x3968xf32, #tpu.memory_space<hbm>>) dst(%arg4 : memref<8x3968xf32, #tpu.memory_space<vmem>>)
      %add3A_180 = arith.constant 128 : i32
      %add3A_181 = arith.addi %add3A, %add3A_180 : i32
      %mul3A_182 = arith.constant 3968 : i32
      %mul3A_183 = arith.muli %add3A_181, %mul3A_182 : i32
      %dma_start3A = arith.constant 0 : i32
      %dma_start3A_184 = arith.constant 0 : i32
      %dma_start3A_185 = tpu.memref_slice %arg3[%dma_start3A_184, %mul3A_183] : memref<8x1000000xf32, #tpu.memory_space<hbm>> -> memref<8x3968xf32, #tpu.memory_space<hbm>>
      %dma_start3A_186 = tpu.memref_slice %arg9[%dma_start3A] : memref<4x!tpu.dma_semaphore, #tpu.memory_space<semaphore_mem>> -> memref<1x!tpu.dma_semaphore, #tpu.memory_space<semaphore_mem>>
      %dma_start3A_187 = tpu.memref_squeeze %dma_start3A_186 : memref<1x!tpu.dma_semaphore, #tpu.memory_space<semaphore_mem>> -> memref<!tpu.dma_semaphore, #tpu.memory_space<semaphore_mem>>
      %dma_start3A_188 = arith.constant 0 : i32
      %dma_start3A_189 = tpu.memref_slice %arg3[%dma_start3A_188, %mul3A_183] : memref<8x1000000xf32, #tpu.memory_space<hbm>> -> memref<8x3968xf32, #tpu.memory_space<hbm>>
      tpu.enqueue_dma source(%arg4 : memref<8x3968xf32, #tpu.memory_space<vmem>>) target(%dma_start3A_189 : memref<8x3968xf32, #tpu.memory_space<hbm>>) target_semaphore(%dma_start3A_187 : memref<!tpu.dma_semaphore, #tpu.memory_space<semaphore_mem>>)
    } else {
    }
    %add3A_103 = arith.constant 96 : i32
    %add3A_104 = arith.addi %add3A, %add3A_103 : i32
    %lt3A_105 = arith.constant 252 : i32
    %lt3A_106 = arith.cmpi slt, %add3A_104, %lt3A_105 : i32
    %convert_element_type3A_107 = arith.extui %lt3A_106 : i1 to i32
    %cond3A_108 = arith.constant 0 : i32
    %cond3A_109 = arith.cmpi ne, %convert_element_type3A_107, %cond3A_108 : i32
    scf.if %cond3A_109 {
      %add3A_170 = arith.constant 96 : i32
      %add3A_171 = arith.addi %add3A, %add3A_170 : i32
      %mul3A_172 = arith.constant 3968 : i32
      %mul3A_173 = arith.muli %add3A_171, %mul3A_172 : i32
      %dma_wait3A = arith.constant 3 : i32
      %dma_wait3A_174 = arith.constant 0 : i32
      %dma_wait3A_175 = tpu.memref_slice %arg3[%dma_wait3A_174, %mul3A_173] : memref<8x1000000xf32, #tpu.memory_space<hbm>> -> memref<8x3968xf32, #tpu.memory_space<hbm>>
      %dma_wait3A_176 = tpu.memref_slice %arg9[%dma_wait3A] : memref<4x!tpu.dma_semaphore, #tpu.memory_space<semaphore_mem>> -> memref<1x!tpu.dma_semaphore, #tpu.memory_space<semaphore_mem>>
      %dma_wait3A_177 = tpu.memref_squeeze %dma_wait3A_176 : memref<1x!tpu.dma_semaphore, #tpu.memory_space<semaphore_mem>> -> memref<!tpu.dma_semaphore, #tpu.memory_space<semaphore_mem>>
      %dma_wait3A_178 = arith.constant 0 : i32
      %dma_wait3A_179 = tpu.memref_slice %arg3[%dma_wait3A_178, %mul3A_173] : memref<8x1000000xf32, #tpu.memory_space<hbm>> -> memref<8x3968xf32, #tpu.memory_space<hbm>>
      tpu.wait_dma2 semaphore(%dma_wait3A_177 : memref<!tpu.dma_semaphore, #tpu.memory_space<semaphore_mem>>) src(%arg7 : memref<8x3968xf32, #tpu.memory_space<vmem>>) dst(%dma_wait3A_179 : memref<8x3968xf32, #tpu.memory_space<hbm>>)
    } else {
    }
    %add3A_110 = arith.constant 224 : i32
    %add3A_111 = arith.addi %add3A, %add3A_110 : i32
    %lt3A_112 = arith.constant 252 : i32
    %lt3A_113 = arith.cmpi slt, %add3A_111, %lt3A_112 : i32
    %convert_element_type3A_114 = arith.extui %lt3A_113 : i1 to i32
    %cond3A_115 = arith.constant 0 : i32
    %cond3A_116 = arith.cmpi ne, %convert_element_type3A_114, %cond3A_115 : i32
    scf.if %cond3A_116 {
      %add3A_170 = arith.constant 224 : i32
      %add3A_171 = arith.addi %add3A, %add3A_170 : i32
      %mul3A_172 = arith.constant 3968 : i32
      %mul3A_173 = arith.muli %add3A_171, %mul3A_172 : i32
      %dma_start3A = arith.constant 3 : i32
      %dma_start3A_174 = arith.constant 0 : i32
      %dma_start3A_175 = tpu.memref_slice %arg2[%dma_start3A_174, %mul3A_173] : memref<8x1000000xf32, #tpu.memory_space<hbm>> -> memref<8x3968xf32, #tpu.memory_space<hbm>>
      %dma_start3A_176 = tpu.memref_slice %arg8[%dma_start3A] : memref<4x!tpu.dma_semaphore, #tpu.memory_space<semaphore_mem>> -> memref<1x!tpu.dma_semaphore, #tpu.memory_space<semaphore_mem>>
      %dma_start3A_177 = tpu.memref_squeeze %dma_start3A_176 : memref<1x!tpu.dma_semaphore, #tpu.memory_space<semaphore_mem>> -> memref<!tpu.dma_semaphore, #tpu.memory_space<semaphore_mem>>
      %dma_start3A_178 = arith.constant 0 : i32
      %dma_start3A_179 = tpu.memref_slice %arg2[%dma_start3A_178, %mul3A_173] : memref<8x1000000xf32, #tpu.memory_space<hbm>> -> memref<8x3968xf32, #tpu.memory_space<hbm>>
      tpu.enqueue_dma source(%dma_start3A_179 : memref<8x3968xf32, #tpu.memory_space<hbm>>) target(%arg7 : memref<8x3968xf32, #tpu.memory_space<vmem>>) target_semaphore(%dma_start3A_177 : memref<!tpu.dma_semaphore, #tpu.memory_space<semaphore_mem>>)
    } else {
    }
    %add3A_117 = arith.constant 160 : i32
    %add3A_118 = arith.addi %add3A, %add3A_117 : i32
    %lt3A_119 = arith.constant 252 : i32
    %lt3A_120 = arith.cmpi slt, %add3A_118, %lt3A_119 : i32
    %convert_element_type3A_121 = arith.extui %lt3A_120 : i1 to i32
    %cond3A_122 = arith.constant 0 : i32
    %cond3A_123 = arith.cmpi ne, %convert_element_type3A_121, %cond3A_122 : i32
    scf.if %cond3A_123 {
      %add3A_170 = arith.constant 160 : i32
      %add3A_171 = arith.addi %add3A, %add3A_170 : i32
      %mul3A_172 = arith.constant 3968 : i32
      %mul3A_173 = arith.muli %add3A_171, %mul3A_172 : i32
      %dma_wait3A = arith.constant 1 : i32
      %dma_wait3A_174 = arith.constant 0 : i32
      %dma_wait3A_175 = tpu.memref_slice %arg2[%dma_wait3A_174, %mul3A_173] : memref<8x1000000xf32, #tpu.memory_space<hbm>> -> memref<8x3968xf32, #tpu.memory_space<hbm>>
      %dma_wait3A_176 = tpu.memref_slice %arg8[%dma_wait3A] : memref<4x!tpu.dma_semaphore, #tpu.memory_space<semaphore_mem>> -> memref<1x!tpu.dma_semaphore, #tpu.memory_space<semaphore_mem>>
      %dma_wait3A_177 = tpu.memref_squeeze %dma_wait3A_176 : memref<1x!tpu.dma_semaphore, #tpu.memory_space<semaphore_mem>> -> memref<!tpu.dma_semaphore, #tpu.memory_space<semaphore_mem>>
      %dma_wait3A_178 = arith.constant 0 : i32
      %dma_wait3A_179 = tpu.memref_slice %arg2[%dma_wait3A_178, %mul3A_173] : memref<8x1000000xf32, #tpu.memory_space<hbm>> -> memref<8x3968xf32, #tpu.memory_space<hbm>>
      tpu.wait_dma2 semaphore(%dma_wait3A_177 : memref<!tpu.dma_semaphore, #tpu.memory_space<semaphore_mem>>) src(%dma_wait3A_179 : memref<8x3968xf32, #tpu.memory_space<hbm>>) dst(%arg5 : memref<8x3968xf32, #tpu.memory_space<vmem>>)
      %add3A_180 = arith.constant 160 : i32
      %add3A_181 = arith.addi %add3A, %add3A_180 : i32
      %mul3A_182 = arith.constant 3968 : i32
      %mul3A_183 = arith.muli %add3A_181, %mul3A_182 : i32
      %dma_start3A = arith.constant 1 : i32
      %dma_start3A_184 = arith.constant 0 : i32
      %dma_start3A_185 = tpu.memref_slice %arg3[%dma_start3A_184, %mul3A_183] : memref<8x1000000xf32, #tpu.memory_space<hbm>> -> memref<8x3968xf32, #tpu.memory_space<hbm>>
      %dma_start3A_186 = tpu.memref_slice %arg9[%dma_start3A] : memref<4x!tpu.dma_semaphore, #tpu.memory_space<semaphore_mem>> -> memref<1x!tpu.dma_semaphore, #tpu.memory_space<semaphore_mem>>
      %dma_start3A_187 = tpu.memref_squeeze %dma_start3A_186 : memref<1x!tpu.dma_semaphore, #tpu.memory_space<semaphore_mem>> -> memref<!tpu.dma_semaphore, #tpu.memory_space<semaphore_mem>>
      %dma_start3A_188 = arith.constant 0 : i32
      %dma_start3A_189 = tpu.memref_slice %arg3[%dma_start3A_188, %mul3A_183] : memref<8x1000000xf32, #tpu.memory_space<hbm>> -> memref<8x3968xf32, #tpu.memory_space<hbm>>
      tpu.enqueue_dma source(%arg5 : memref<8x3968xf32, #tpu.memory_space<vmem>>) target(%dma_start3A_189 : memref<8x3968xf32, #tpu.memory_space<hbm>>) target_semaphore(%dma_start3A_187 : memref<!tpu.dma_semaphore, #tpu.memory_space<semaphore_mem>>)
    } else {
    }
    %add3A_124 = arith.constant 128 : i32
    %add3A_125 = arith.addi %add3A, %add3A_124 : i32
    %lt3A_126 = arith.constant 252 : i32
    %lt3A_127 = arith.cmpi slt, %add3A_125, %lt3A_126 : i32
    %convert_element_type3A_128 = arith.extui %lt3A_127 : i1 to i32
    %cond3A_129 = arith.constant 0 : i32
    %cond3A_130 = arith.cmpi ne, %convert_element_type3A_128, %cond3A_129 : i32
    scf.if %cond3A_130 {
      %add3A_170 = arith.constant 128 : i32
      %add3A_171 = arith.addi %add3A, %add3A_170 : i32
      %mul3A_172 = arith.constant 3968 : i32
      %mul3A_173 = arith.muli %add3A_171, %mul3A_172 : i32
      %dma_wait3A = arith.constant 0 : i32
      %dma_wait3A_174 = arith.constant 0 : i32
      %dma_wait3A_175 = tpu.memref_slice %arg3[%dma_wait3A_174, %mul3A_173] : memref<8x1000000xf32, #tpu.memory_space<hbm>> -> memref<8x3968xf32, #tpu.memory_space<hbm>>
      %dma_wait3A_176 = tpu.memref_slice %arg9[%dma_wait3A] : memref<4x!tpu.dma_semaphore, #tpu.memory_space<semaphore_mem>> -> memref<1x!tpu.dma_semaphore, #tpu.memory_space<semaphore_mem>>
      %dma_wait3A_177 = tpu.memref_squeeze %dma_wait3A_176 : memref<1x!tpu.dma_semaphore, #tpu.memory_space<semaphore_mem>> -> memref<!tpu.dma_semaphore, #tpu.memory_space<semaphore_mem>>
      %dma_wait3A_178 = arith.constant 0 : i32
      %dma_wait3A_179 = tpu.memref_slice %arg3[%dma_wait3A_178, %mul3A_173] : memref<8x1000000xf32, #tpu.memory_space<hbm>> -> memref<8x3968xf32, #tpu.memory_space<hbm>>
      tpu.wait_dma2 semaphore(%dma_wait3A_177 : memref<!tpu.dma_semaphore, #tpu.memory_space<semaphore_mem>>) src(%arg4 : memref<8x3968xf32, #tpu.memory_space<vmem>>) dst(%dma_wait3A_179 : memref<8x3968xf32, #tpu.memory_space<hbm>>)
    } else {
    }
    %add3A_131 = arith.constant 192 : i32
    %add3A_132 = arith.addi %add3A, %add3A_131 : i32
    %lt3A_133 = arith.constant 252 : i32
    %lt3A_134 = arith.cmpi slt, %add3A_132, %lt3A_133 : i32
    %convert_element_type3A_135 = arith.extui %lt3A_134 : i1 to i32
    %cond3A_136 = arith.constant 0 : i32
    %cond3A_137 = arith.cmpi ne, %convert_element_type3A_135, %cond3A_136 : i32
    scf.if %cond3A_137 {
      %add3A_170 = arith.constant 192 : i32
      %add3A_171 = arith.addi %add3A, %add3A_170 : i32
      %mul3A_172 = arith.constant 3968 : i32
      %mul3A_173 = arith.muli %add3A_171, %mul3A_172 : i32
      %dma_wait3A = arith.constant 2 : i32
      %dma_wait3A_174 = arith.constant 0 : i32
      %dma_wait3A_175 = tpu.memref_slice %arg2[%dma_wait3A_174, %mul3A_173] : memref<8x1000000xf32, #tpu.memory_space<hbm>> -> memref<8x3968xf32, #tpu.memory_space<hbm>>
      %dma_wait3A_176 = tpu.memref_slice %arg8[%dma_wait3A] : memref<4x!tpu.dma_semaphore, #tpu.memory_space<semaphore_mem>> -> memref<1x!tpu.dma_semaphore, #tpu.memory_space<semaphore_mem>>
      %dma_wait3A_177 = tpu.memref_squeeze %dma_wait3A_176 : memref<1x!tpu.dma_semaphore, #tpu.memory_space<semaphore_mem>> -> memref<!tpu.dma_semaphore, #tpu.memory_space<semaphore_mem>>
      %dma_wait3A_178 = arith.constant 0 : i32
      %dma_wait3A_179 = tpu.memref_slice %arg2[%dma_wait3A_178, %mul3A_173] : memref<8x1000000xf32, #tpu.memory_space<hbm>> -> memref<8x3968xf32, #tpu.memory_space<hbm>>
      tpu.wait_dma2 semaphore(%dma_wait3A_177 : memref<!tpu.dma_semaphore, #tpu.memory_space<semaphore_mem>>) src(%dma_wait3A_179 : memref<8x3968xf32, #tpu.memory_space<hbm>>) dst(%arg6 : memref<8x3968xf32, #tpu.memory_space<vmem>>)
      %add3A_180 = arith.constant 192 : i32
      %add3A_181 = arith.addi %add3A, %add3A_180 : i32
      %mul3A_182 = arith.constant 3968 : i32
      %mul3A_183 = arith.muli %add3A_181, %mul3A_182 : i32
      %dma_start3A = arith.constant 2 : i32
      %dma_start3A_184 = arith.constant 0 : i32
      %dma_start3A_185 = tpu.memref_slice %arg3[%dma_start3A_184, %mul3A_183] : memref<8x1000000xf32, #tpu.memory_space<hbm>> -> memref<8x3968xf32, #tpu.memory_space<hbm>>
      %dma_start3A_186 = tpu.memref_slice %arg9[%dma_start3A] : memref<4x!tpu.dma_semaphore, #tpu.memory_space<semaphore_mem>> -> memref<1x!tpu.dma_semaphore, #tpu.memory_space<semaphore_mem>>
      %dma_start3A_187 = tpu.memref_squeeze %dma_start3A_186 : memref<1x!tpu.dma_semaphore, #tpu.memory_space<semaphore_mem>> -> memref<!tpu.dma_semaphore, #tpu.memory_space<semaphore_mem>>
      %dma_start3A_188 = arith.constant 0 : i32
      %dma_start3A_189 = tpu.memref_slice %arg3[%dma_start3A_188, %mul3A_183] : memref<8x1000000xf32, #tpu.memory_space<hbm>> -> memref<8x3968xf32, #tpu.memory_space<hbm>>
      tpu.enqueue_dma source(%arg6 : memref<8x3968xf32, #tpu.memory_space<vmem>>) target(%dma_start3A_189 : memref<8x3968xf32, #tpu.memory_space<hbm>>) target_semaphore(%dma_start3A_187 : memref<!tpu.dma_semaphore, #tpu.memory_space<semaphore_mem>>)
    } else {
    }
    %add3A_138 = arith.constant 160 : i32
    %add3A_139 = arith.addi %add3A, %add3A_138 : i32
    %lt3A_140 = arith.constant 252 : i32
    %lt3A_141 = arith.cmpi slt, %add3A_139, %lt3A_140 : i32
    %convert_element_type3A_142 = arith.extui %lt3A_141 : i1 to i32
    %cond3A_143 = arith.constant 0 : i32
    %cond3A_144 = arith.cmpi ne, %convert_element_type3A_142, %cond3A_143 : i32
    scf.if %cond3A_144 {
      %add3A_170 = arith.constant 160 : i32
      %add3A_171 = arith.addi %add3A, %add3A_170 : i32
      %mul3A_172 = arith.constant 3968 : i32
      %mul3A_173 = arith.muli %add3A_171, %mul3A_172 : i32
      %dma_wait3A = arith.constant 1 : i32
      %dma_wait3A_174 = arith.constant 0 : i32
      %dma_wait3A_175 = tpu.memref_slice %arg3[%dma_wait3A_174, %mul3A_173] : memref<8x1000000xf32, #tpu.memory_space<hbm>> -> memref<8x3968xf32, #tpu.memory_space<hbm>>
      %dma_wait3A_176 = tpu.memref_slice %arg9[%dma_wait3A] : memref<4x!tpu.dma_semaphore, #tpu.memory_space<semaphore_mem>> -> memref<1x!tpu.dma_semaphore, #tpu.memory_space<semaphore_mem>>
      %dma_wait3A_177 = tpu.memref_squeeze %dma_wait3A_176 : memref<1x!tpu.dma_semaphore, #tpu.memory_space<semaphore_mem>> -> memref<!tpu.dma_semaphore, #tpu.memory_space<semaphore_mem>>
      %dma_wait3A_178 = arith.constant 0 : i32
      %dma_wait3A_179 = tpu.memref_slice %arg3[%dma_wait3A_178, %mul3A_173] : memref<8x1000000xf32, #tpu.memory_space<hbm>> -> memref<8x3968xf32, #tpu.memory_space<hbm>>
      tpu.wait_dma2 semaphore(%dma_wait3A_177 : memref<!tpu.dma_semaphore, #tpu.memory_space<semaphore_mem>>) src(%arg5 : memref<8x3968xf32, #tpu.memory_space<vmem>>) dst(%dma_wait3A_179 : memref<8x3968xf32, #tpu.memory_space<hbm>>)
    } else {
    }
    %add3A_145 = arith.constant 224 : i32
    %add3A_146 = arith.addi %add3A, %add3A_145 : i32
    %lt3A_147 = arith.constant 252 : i32
    %lt3A_148 = arith.cmpi slt, %add3A_146, %lt3A_147 : i32
    %convert_element_type3A_149 = arith.extui %lt3A_148 : i1 to i32
    %cond3A_150 = arith.constant 0 : i32
    %cond3A_151 = arith.cmpi ne, %convert_element_type3A_149, %cond3A_150 : i32
    scf.if %cond3A_151 {
      %add3A_170 = arith.constant 224 : i32
      %add3A_171 = arith.addi %add3A, %add3A_170 : i32
      %mul3A_172 = arith.constant 3968 : i32
      %mul3A_173 = arith.muli %add3A_171, %mul3A_172 : i32
      %dma_wait3A = arith.constant 3 : i32
      %dma_wait3A_174 = arith.constant 0 : i32
      %dma_wait3A_175 = tpu.memref_slice %arg2[%dma_wait3A_174, %mul3A_173] : memref<8x1000000xf32, #tpu.memory_space<hbm>> -> memref<8x3968xf32, #tpu.memory_space<hbm>>
      %dma_wait3A_176 = tpu.memref_slice %arg8[%dma_wait3A] : memref<4x!tpu.dma_semaphore, #tpu.memory_space<semaphore_mem>> -> memref<1x!tpu.dma_semaphore, #tpu.memory_space<semaphore_mem>>
      %dma_wait3A_177 = tpu.memref_squeeze %dma_wait3A_176 : memref<1x!tpu.dma_semaphore, #tpu.memory_space<semaphore_mem>> -> memref<!tpu.dma_semaphore, #tpu.memory_space<semaphore_mem>>
      %dma_wait3A_178 = arith.constant 0 : i32
      %dma_wait3A_179 = tpu.memref_slice %arg2[%dma_wait3A_178, %mul3A_173] : memref<8x1000000xf32, #tpu.memory_space<hbm>> -> memref<8x3968xf32, #tpu.memory_space<hbm>>
      tpu.wait_dma2 semaphore(%dma_wait3A_177 : memref<!tpu.dma_semaphore, #tpu.memory_space<semaphore_mem>>) src(%dma_wait3A_179 : memref<8x3968xf32, #tpu.memory_space<hbm>>) dst(%arg7 : memref<8x3968xf32, #tpu.memory_space<vmem>>)
      %add3A_180 = arith.constant 224 : i32
      %add3A_181 = arith.addi %add3A, %add3A_180 : i32
      %mul3A_182 = arith.constant 3968 : i32
      %mul3A_183 = arith.muli %add3A_181, %mul3A_182 : i32
      %dma_start3A = arith.constant 3 : i32
      %dma_start3A_184 = arith.constant 0 : i32
      %dma_start3A_185 = tpu.memref_slice %arg3[%dma_start3A_184, %mul3A_183] : memref<8x1000000xf32, #tpu.memory_space<hbm>> -> memref<8x3968xf32, #tpu.memory_space<hbm>>
      %dma_start3A_186 = tpu.memref_slice %arg9[%dma_start3A] : memref<4x!tpu.dma_semaphore, #tpu.memory_space<semaphore_mem>> -> memref<1x!tpu.dma_semaphore, #tpu.memory_space<semaphore_mem>>
      %dma_start3A_187 = tpu.memref_squeeze %dma_start3A_186 : memref<1x!tpu.dma_semaphore, #tpu.memory_space<semaphore_mem>> -> memref<!tpu.dma_semaphore, #tpu.memory_space<semaphore_mem>>
      %dma_start3A_188 = arith.constant 0 : i32
      %dma_start3A_189 = tpu.memref_slice %arg3[%dma_start3A_188, %mul3A_183] : memref<8x1000000xf32, #tpu.memory_space<hbm>> -> memref<8x3968xf32, #tpu.memory_space<hbm>>
      tpu.enqueue_dma source(%arg7 : memref<8x3968xf32, #tpu.memory_space<vmem>>) target(%dma_start3A_189 : memref<8x3968xf32, #tpu.memory_space<hbm>>) target_semaphore(%dma_start3A_187 : memref<!tpu.dma_semaphore, #tpu.memory_space<semaphore_mem>>)
    } else {
    }
    %add3A_152 = arith.constant 192 : i32
    %add3A_153 = arith.addi %add3A, %add3A_152 : i32
    %lt3A_154 = arith.constant 252 : i32
    %lt3A_155 = arith.cmpi slt, %add3A_153, %lt3A_154 : i32
    %convert_element_type3A_156 = arith.extui %lt3A_155 : i1 to i32
    %cond3A_157 = arith.constant 0 : i32
    %cond3A_158 = arith.cmpi ne, %convert_element_type3A_156, %cond3A_157 : i32
    scf.if %cond3A_158 {
      %add3A_170 = arith.constant 192 : i32
      %add3A_171 = arith.addi %add3A, %add3A_170 : i32
      %mul3A_172 = arith.constant 3968 : i32
      %mul3A_173 = arith.muli %add3A_171, %mul3A_172 : i32
      %dma_wait3A = arith.constant 2 : i32
      %dma_wait3A_174 = arith.constant 0 : i32
      %dma_wait3A_175 = tpu.memref_slice %arg3[%dma_wait3A_174, %mul3A_173] : memref<8x1000000xf32, #tpu.memory_space<hbm>> -> memref<8x3968xf32, #tpu.memory_space<hbm>>
      %dma_wait3A_176 = tpu.memref_slice %arg9[%dma_wait3A] : memref<4x!tpu.dma_semaphore, #tpu.memory_space<semaphore_mem>> -> memref<1x!tpu.dma_semaphore, #tpu.memory_space<semaphore_mem>>
      %dma_wait3A_177 = tpu.memref_squeeze %dma_wait3A_176 : memref<1x!tpu.dma_semaphore, #tpu.memory_space<semaphore_mem>> -> memref<!tpu.dma_semaphore, #tpu.memory_space<semaphore_mem>>
      %dma_wait3A_178 = arith.constant 0 : i32
      %dma_wait3A_179 = tpu.memref_slice %arg3[%dma_wait3A_178, %mul3A_173] : memref<8x1000000xf32, #tpu.memory_space<hbm>> -> memref<8x3968xf32, #tpu.memory_space<hbm>>
      tpu.wait_dma2 semaphore(%dma_wait3A_177 : memref<!tpu.dma_semaphore, #tpu.memory_space<semaphore_mem>>) src(%arg6 : memref<8x3968xf32, #tpu.memory_space<vmem>>) dst(%dma_wait3A_179 : memref<8x3968xf32, #tpu.memory_space<hbm>>)
    } else {
    }
    %add3A_159 = arith.constant 224 : i32
    %add3A_160 = arith.addi %add3A, %add3A_159 : i32
    %lt3A_161 = arith.constant 252 : i32
    %lt3A_162 = arith.cmpi slt, %add3A_160, %lt3A_161 : i32
    %convert_element_type3A_163 = arith.extui %lt3A_162 : i1 to i32
    %cond3A_164 = arith.constant 0 : i32
    %cond3A_165 = arith.cmpi ne, %convert_element_type3A_163, %cond3A_164 : i32
    scf.if %cond3A_165 {
      %add3A_170 = arith.constant 224 : i32
      %add3A_171 = arith.addi %add3A, %add3A_170 : i32
      %mul3A_172 = arith.constant 3968 : i32
      %mul3A_173 = arith.muli %add3A_171, %mul3A_172 : i32
      %dma_wait3A = arith.constant 3 : i32
      %dma_wait3A_174 = arith.constant 0 : i32
      %dma_wait3A_175 = tpu.memref_slice %arg3[%dma_wait3A_174, %mul3A_173] : memref<8x1000000xf32, #tpu.memory_space<hbm>> -> memref<8x3968xf32, #tpu.memory_space<hbm>>
      %dma_wait3A_176 = tpu.memref_slice %arg9[%dma_wait3A] : memref<4x!tpu.dma_semaphore, #tpu.memory_space<semaphore_mem>> -> memref<1x!tpu.dma_semaphore, #tpu.memory_space<semaphore_mem>>
      %dma_wait3A_177 = tpu.memref_squeeze %dma_wait3A_176 : memref<1x!tpu.dma_semaphore, #tpu.memory_space<semaphore_mem>> -> memref<!tpu.dma_semaphore, #tpu.memory_space<semaphore_mem>>
      %dma_wait3A_178 = arith.constant 0 : i32
      %dma_wait3A_179 = tpu.memref_slice %arg3[%dma_wait3A_178, %mul3A_173] : memref<8x1000000xf32, #tpu.memory_space<hbm>> -> memref<8x3968xf32, #tpu.memory_space<hbm>>
      tpu.wait_dma2 semaphore(%dma_wait3A_177 : memref<!tpu.dma_semaphore, #tpu.memory_space<semaphore_mem>>) src(%arg7 : memref<8x3968xf32, #tpu.memory_space<vmem>>) dst(%dma_wait3A_179 : memref<8x3968xf32, #tpu.memory_space<hbm>>)
    } else {
    }
    %eq3A = arith.constant 31 : i32
    %eq3A_166 = arith.cmpi eq, %add3A, %eq3A : i32
    %convert_element_type3A_167 = arith.extui %eq3A_166 : i1 to i32
    %cond3A_168 = arith.constant 0 : i32
    %cond3A_169 = arith.cmpi ne, %convert_element_type3A_167, %cond3A_168 : i32
    scf.if %cond3A_169 {
      %mul3A_170 = arith.constant 0 : i32
      %mul3A_171 = arith.muli %mul3A_170, %add3A : i32
      %add3A_172 = arith.constant 999936 : i32
      %add3A_173 = arith.addi %add3A_172, %mul3A_171 : i32
      %multiple_of3A = tpu.assume_multiple %add3A_173, 128 : i32
      %dma_start3A = arith.constant 0 : i32
      %dma_start3A_174 = arith.constant 0 : i32
      %dma_start3A_175 = arith.constant 0 : i32
      %dma_start3A_176 = tpu.memref_slice %arg4[%dma_start3A_174, %dma_start3A_175] : memref<8x3968xf32, #tpu.memory_space<vmem>> -> memref<8x128xf32, #tpu.memory_space<vmem>>
      %dma_start3A_177 = arith.constant 0 : i32
      %dma_start3A_178 = tpu.memref_slice %arg2[%dma_start3A_177, %multiple_of3A] : memref<8x1000000xf32, #tpu.memory_space<hbm>> -> memref<8x128xf32, #tpu.memory_space<hbm>>
      %dma_start3A_179 = tpu.memref_slice %arg8[%dma_start3A] : memref<4x!tpu.dma_semaphore, #tpu.memory_space<semaphore_mem>> -> memref<1x!tpu.dma_semaphore, #tpu.memory_space<semaphore_mem>>
      %dma_start3A_180 = tpu.memref_squeeze %dma_start3A_179 : memref<1x!tpu.dma_semaphore, #tpu.memory_space<semaphore_mem>> -> memref<!tpu.dma_semaphore, #tpu.memory_space<semaphore_mem>>
      %dma_start3A_181 = arith.constant 0 : i32
      %dma_start3A_182 = arith.constant 0 : i32
      %dma_start3A_183 = tpu.memref_slice %arg4[%dma_start3A_181, %dma_start3A_182] : memref<8x3968xf32, #tpu.memory_space<vmem>> -> memref<8x128xf32, #tpu.memory_space<vmem>>
      %dma_start3A_184 = arith.constant 0 : i32
      %dma_start3A_185 = tpu.memref_slice %arg2[%dma_start3A_184, %multiple_of3A] : memref<8x1000000xf32, #tpu.memory_space<hbm>> -> memref<8x128xf32, #tpu.memory_space<hbm>>
      tpu.enqueue_dma source(%dma_start3A_185 : memref<8x128xf32, #tpu.memory_space<hbm>>) target(%dma_start3A_183 : memref<8x128xf32, #tpu.memory_space<vmem>>) target_semaphore(%dma_start3A_180 : memref<!tpu.dma_semaphore, #tpu.memory_space<semaphore_mem>>)
      %dma_wait3A = arith.constant 0 : i32
      %dma_wait3A_186 = arith.constant 0 : i32
      %dma_wait3A_187 = arith.constant 0 : i32
      %dma_wait3A_188 = tpu.memref_slice %arg4[%dma_wait3A_186, %dma_wait3A_187] : memref<8x3968xf32, #tpu.memory_space<vmem>> -> memref<8x128xf32, #tpu.memory_space<vmem>>
      %dma_wait3A_189 = arith.constant 0 : i32
      %dma_wait3A_190 = tpu.memref_slice %arg2[%dma_wait3A_189, %multiple_of3A] : memref<8x1000000xf32, #tpu.memory_space<hbm>> -> memref<8x128xf32, #tpu.memory_space<hbm>>
      %dma_wait3A_191 = tpu.memref_slice %arg8[%dma_wait3A] : memref<4x!tpu.dma_semaphore, #tpu.memory_space<semaphore_mem>> -> memref<1x!tpu.dma_semaphore, #tpu.memory_space<semaphore_mem>>
      %dma_wait3A_192 = tpu.memref_squeeze %dma_wait3A_191 : memref<1x!tpu.dma_semaphore, #tpu.memory_space<semaphore_mem>> -> memref<!tpu.dma_semaphore, #tpu.memory_space<semaphore_mem>>
      %dma_wait3A_193 = arith.constant 0 : i32
      %dma_wait3A_194 = arith.constant 0 : i32
      %dma_wait3A_195 = tpu.memref_slice %arg4[%dma_wait3A_193, %dma_wait3A_194] : memref<8x3968xf32, #tpu.memory_space<vmem>> -> memref<8x128xf32, #tpu.memory_space<vmem>>
      %dma_wait3A_196 = arith.constant 0 : i32
      %dma_wait3A_197 = tpu.memref_slice %arg2[%dma_wait3A_196, %multiple_of3A] : memref<8x1000000xf32, #tpu.memory_space<hbm>> -> memref<8x128xf32, #tpu.memory_space<hbm>>
      tpu.wait_dma2 semaphore(%dma_wait3A_192 : memref<!tpu.dma_semaphore, #tpu.memory_space<semaphore_mem>>) src(%dma_wait3A_197 : memref<8x128xf32, #tpu.memory_space<hbm>>) dst(%dma_wait3A_195 : memref<8x128xf32, #tpu.memory_space<vmem>>)
      %dma_start3A_198 = arith.constant 0 : i32
      %dma_start3A_199 = arith.constant 0 : i32
      %dma_start3A_200 = arith.constant 0 : i32
      %dma_start3A_201 = tpu.memref_slice %arg4[%dma_start3A_199, %dma_start3A_200] : memref<8x3968xf32, #tpu.memory_space<vmem>> -> memref<8x128xf32, #tpu.memory_space<vmem>>
      %dma_start3A_202 = arith.constant 0 : i32
      %dma_start3A_203 = tpu.memref_slice %arg3[%dma_start3A_202, %multiple_of3A] : memref<8x1000000xf32, #tpu.memory_space<hbm>> -> memref<8x128xf32, #tpu.memory_space<hbm>>
      %dma_start3A_204 = tpu.memref_slice %arg9[%dma_start3A_198] : memref<4x!tpu.dma_semaphore, #tpu.memory_space<semaphore_mem>> -> memref<1x!tpu.dma_semaphore, #tpu.memory_space<semaphore_mem>>
      %dma_start3A_205 = tpu.memref_squeeze %dma_start3A_204 : memref<1x!tpu.dma_semaphore, #tpu.memory_space<semaphore_mem>> -> memref<!tpu.dma_semaphore, #tpu.memory_space<semaphore_mem>>
      %dma_start3A_206 = arith.constant 0 : i32
      %dma_start3A_207 = tpu.memref_slice %arg3[%dma_start3A_206, %multiple_of3A] : memref<8x1000000xf32, #tpu.memory_space<hbm>> -> memref<8x128xf32, #tpu.memory_space<hbm>>
      %dma_start3A_208 = arith.constant 0 : i32
      %dma_start3A_209 = arith.constant 0 : i32
      %dma_start3A_210 = tpu.memref_slice %arg4[%dma_start3A_208, %dma_start3A_209] : memref<8x3968xf32, #tpu.memory_space<vmem>> -> memref<8x128xf32, #tpu.memory_space<vmem>>
      tpu.enqueue_dma source(%dma_start3A_210 : memref<8x128xf32, #tpu.memory_space<vmem>>) target(%dma_start3A_207 : memref<8x128xf32, #tpu.memory_space<hbm>>) target_semaphore(%dma_start3A_205 : memref<!tpu.dma_semaphore, #tpu.memory_space<semaphore_mem>>)
      %dma_wait3A_211 = arith.constant 0 : i32
      %dma_wait3A_212 = arith.constant 0 : i32
      %dma_wait3A_213 = arith.constant 0 : i32
      %dma_wait3A_214 = tpu.memref_slice %arg4[%dma_wait3A_212, %dma_wait3A_213] : memref<8x3968xf32, #tpu.memory_space<vmem>> -> memref<8x128xf32, #tpu.memory_space<vmem>>
      %dma_wait3A_215 = arith.constant 0 : i32
      %dma_wait3A_216 = tpu.memref_slice %arg3[%dma_wait3A_215, %multiple_of3A] : memref<8x1000000xf32, #tpu.memory_space<hbm>> -> memref<8x128xf32, #tpu.memory_space<hbm>>
      %dma_wait3A_217 = tpu.memref_slice %arg9[%dma_wait3A_211] : memref<4x!tpu.dma_semaphore, #tpu.memory_space<semaphore_mem>> -> memref<1x!tpu.dma_semaphore, #tpu.memory_space<semaphore_mem>>
      %dma_wait3A_218 = tpu.memref_squeeze %dma_wait3A_217 : memref<1x!tpu.dma_semaphore, #tpu.memory_space<semaphore_mem>> -> memref<!tpu.dma_semaphore, #tpu.memory_space<semaphore_mem>>
      %dma_wait3A_219 = arith.constant 0 : i32
      %dma_wait3A_220 = tpu.memref_slice %arg3[%dma_wait3A_219, %multiple_of3A] : memref<8x1000000xf32, #tpu.memory_space<hbm>> -> memref<8x128xf32, #tpu.memory_space<hbm>>
      %dma_wait3A_221 = arith.constant 0 : i32
      %dma_wait3A_222 = arith.constant 0 : i32
      %dma_wait3A_223 = tpu.memref_slice %arg4[%dma_wait3A_221, %dma_wait3A_222] : memref<8x3968xf32, #tpu.memory_space<vmem>> -> memref<8x128xf32, #tpu.memory_space<vmem>>
      tpu.wait_dma2 semaphore(%dma_wait3A_218 : memref<!tpu.dma_semaphore, #tpu.memory_space<semaphore_mem>>) src(%dma_wait3A_223 : memref<8x128xf32, #tpu.memory_space<vmem>>) dst(%dma_wait3A_220 : memref<8x128xf32, #tpu.memory_space<hbm>>)
    } else {
    }
    return
  }
}

module attributes {stable_mosaic.version = 14 : i64} {
  func.func @body(%arg0: i32, %arg1: memref<4xi32, #tpu.memory_space<smem>>, %arg2: memref<8x128xf32, #tpu.memory_space<vmem>>, %arg3: memref<8x4xf32, #tpu.memory_space<vmem>>, %arg4: memref<8x1000000xf32, #tpu.memory_space<any>>, %arg5: memref<8x128xf32, #tpu.memory_space<vmem>>) attributes {dimension_semantics = [#tpu.dimension_semantics<arbitrary>], iteration_bounds = array<i64: 4>, scalar_prefetch = 1 : i64, scratch_operands = 0 : i64, tpu.core_type = #tpu.core_type<tc>, window_params = [{transform_indices = @transform_0, window_bounds = array<i64: 8, 128>}, {pipeline_mode = #tpu.pipeline_mode<synchronous>, transform_indices = @transform_1, window_bounds = array<i64: 8, 4>}, {}, {transform_indices = @transform_3, window_bounds = array<i64: 8, 128>}]} {
    %get3A = arith.index_cast %arg0 : i32 to index
    %get3A_0 = memref.load %arg1[%get3A] : memref<4xi32, #tpu.memory_space<smem>>
    %jit3A = arith.constant 128 : i32
    %div3A = arith.divsi %get3A_0, %jit3A : i32
    %sign3A = arith.constant 0 : i32
    %sign3A_1 = arith.cmpi sgt, %get3A_0, %sign3A : i32
    %sign3A_2 = arith.extui %sign3A_1 : i1 to i32
    %sign3A_3 = arith.constant 0 : i32
    %sign3A_4 = arith.cmpi slt, %get3A_0, %sign3A_3 : i32
    %sign3A_5 = arith.extui %sign3A_4 : i1 to i32
    %sign3A_6 = arith.subi %sign3A_2, %sign3A_5 : i32
    %sign3A_7 = arith.constant 0 : i32
    %sign3A_8 = arith.cmpi sgt, %jit3A, %sign3A_7 : i32
    %sign3A_9 = arith.extui %sign3A_8 : i1 to i32
    %sign3A_10 = arith.constant 0 : i32
    %sign3A_11 = arith.cmpi slt, %jit3A, %sign3A_10 : i32
    %sign3A_12 = arith.extui %sign3A_11 : i1 to i32
    %sign3A_13 = arith.subi %sign3A_9, %sign3A_12 : i32
    %ne3A = arith.cmpi ne, %sign3A_6, %sign3A_13 : i32
    %rem3A = arith.remsi %get3A_0, %jit3A : i32
    %ne3A_14 = arith.constant 0 : i32
    %ne3A_15 = arith.cmpi ne, %rem3A, %ne3A_14 : i32
    %and3A = arith.andi %ne3A, %ne3A_15 : i1
    %sub3A = arith.constant 1 : i32
    %sub3A_16 = arith.subi %div3A, %sub3A : i32
    %select_n3A = arith.select %and3A, %sub3A_16, %div3A : i32
    %mul3A = arith.constant 128 : i32
    %mul3A_17 = arith.muli %select_n3A, %mul3A : i32
    %iota3A = tpu.iota {dimensions = array<i32: 1>} : vector<8x128xi32>
    %add3A = vector.broadcast %mul3A_17 : i32 to vector<8x128xi32>
    %add3A_18 = arith.addi %add3A, %iota3A : vector<8x128xi32>
    %get3A_19 = arith.constant 0 : index
    %get3A_20 = arith.constant 0 : index
    %get3A_21 = vector.load %arg2[%get3A_19, %get3A_20] : memref<8x128xf32, #tpu.memory_space<vmem>>, vector<8x128xf32>
    %get3A_22 = arith.constant 0 : index
    %get3A_23 = memref.load %arg1[%get3A_22] : memref<4xi32, #tpu.memory_space<smem>>
    %eq3A = vector.broadcast %get3A_23 : i32 to vector<8x128xi32>
    %eq3A_24 = arith.cmpi eq, %add3A_18, %eq3A : vector<8x128xi32>
    %get3A_25 = arith.constant 0 : index
    %get3A_26 = arith.constant 0 : index
    %get3A_27 = vector.load %arg3[%get3A_25, %get3A_26] : memref<8x4xf32, #tpu.memory_space<vmem>>, vector<8x1xf32>
    %jit3A_28 = arith.constant 0.000000e+00 : f32
    %broadcast_in_dim3A = vector.shape_cast %get3A_27 : vector<8x1xf32> to vector<8x1xf32>
    %broadcast_in_dim3A_29 = vector.broadcast %broadcast_in_dim3A : vector<8x1xf32> to vector<8x128xf32>
    %broadcast_in_dim3A_30 = vector.broadcast %jit3A_28 : f32 to vector<8x128xf32>
    %select_n3A_31 = arith.select %eq3A_24, %broadcast_in_dim3A_29, %broadcast_in_dim3A_30 : vector<8x128xi1>, vector<8x128xf32>
    %add3A_32 = arith.addf %get3A_21, %select_n3A_31 : vector<8x128xf32>
    %get3A_33 = arith.constant 1 : index
    %get3A_34 = memref.load %arg1[%get3A_33] : memref<4xi32, #tpu.memory_space<smem>>
    %eq3A_35 = vector.broadcast %get3A_34 : i32 to vector<8x128xi32>
    %eq3A_36 = arith.cmpi eq, %add3A_18, %eq3A_35 : vector<8x128xi32>
    %get3A_37 = arith.constant 0 : index
    %get3A_38 = arith.constant 1 : index
    %get3A_39 = vector.load %arg3[%get3A_37, %get3A_38] : memref<8x4xf32, #tpu.memory_space<vmem>>, vector<8x1xf32>
    %jit3A_40 = arith.constant 0.000000e+00 : f32
    %broadcast_in_dim3A_41 = vector.shape_cast %get3A_39 : vector<8x1xf32> to vector<8x1xf32>
    %broadcast_in_dim3A_42 = vector.broadcast %broadcast_in_dim3A_41 : vector<8x1xf32> to vector<8x128xf32>
    %broadcast_in_dim3A_43 = vector.broadcast %jit3A_40 : f32 to vector<8x128xf32>
    %select_n3A_44 = arith.select %eq3A_36, %broadcast_in_dim3A_42, %broadcast_in_dim3A_43 : vector<8x128xi1>, vector<8x128xf32>
    %add3A_45 = arith.addf %add3A_32, %select_n3A_44 : vector<8x128xf32>
    %get3A_46 = arith.constant 2 : index
    %get3A_47 = memref.load %arg1[%get3A_46] : memref<4xi32, #tpu.memory_space<smem>>
    %eq3A_48 = vector.broadcast %get3A_47 : i32 to vector<8x128xi32>
    %eq3A_49 = arith.cmpi eq, %add3A_18, %eq3A_48 : vector<8x128xi32>
    %get3A_50 = arith.constant 0 : index
    %get3A_51 = arith.constant 2 : index
    %get3A_52 = vector.load %arg3[%get3A_50, %get3A_51] : memref<8x4xf32, #tpu.memory_space<vmem>>, vector<8x1xf32>
    %jit3A_53 = arith.constant 0.000000e+00 : f32
    %broadcast_in_dim3A_54 = vector.shape_cast %get3A_52 : vector<8x1xf32> to vector<8x1xf32>
    %broadcast_in_dim3A_55 = vector.broadcast %broadcast_in_dim3A_54 : vector<8x1xf32> to vector<8x128xf32>
    %broadcast_in_dim3A_56 = vector.broadcast %jit3A_53 : f32 to vector<8x128xf32>
    %select_n3A_57 = arith.select %eq3A_49, %broadcast_in_dim3A_55, %broadcast_in_dim3A_56 : vector<8x128xi1>, vector<8x128xf32>
    %add3A_58 = arith.addf %add3A_45, %select_n3A_57 : vector<8x128xf32>
    %get3A_59 = arith.constant 3 : index
    %get3A_60 = memref.load %arg1[%get3A_59] : memref<4xi32, #tpu.memory_space<smem>>
    %eq3A_61 = vector.broadcast %get3A_60 : i32 to vector<8x128xi32>
    %eq3A_62 = arith.cmpi eq, %add3A_18, %eq3A_61 : vector<8x128xi32>
    %get3A_63 = arith.constant 0 : index
    %get3A_64 = arith.constant 3 : index
    %get3A_65 = vector.load %arg3[%get3A_63, %get3A_64] : memref<8x4xf32, #tpu.memory_space<vmem>>, vector<8x1xf32>
    %jit3A_66 = arith.constant 0.000000e+00 : f32
    %broadcast_in_dim3A_67 = vector.shape_cast %get3A_65 : vector<8x1xf32> to vector<8x1xf32>
    %broadcast_in_dim3A_68 = vector.broadcast %broadcast_in_dim3A_67 : vector<8x1xf32> to vector<8x128xf32>
    %broadcast_in_dim3A_69 = vector.broadcast %jit3A_66 : f32 to vector<8x128xf32>
    %select_n3A_70 = arith.select %eq3A_62, %broadcast_in_dim3A_68, %broadcast_in_dim3A_69 : vector<8x128xi1>, vector<8x128xf32>
    %add3A_71 = arith.addf %add3A_58, %select_n3A_70 : vector<8x128xf32>
    %swap3A = arith.constant 0 : index
    %swap3A_72 = arith.constant 0 : index
    %swap3A_73 = vector.load %arg5[%swap3A, %swap3A_72] : memref<8x128xf32, #tpu.memory_space<vmem>>, vector<8x128xf32>
    tpu.vector_store %arg5[%swap3A, %swap3A_72], %add3A_71 {strides = array<i32>} : memref<8x128xf32, #tpu.memory_space<vmem>>, vector<8x128xf32>,
    return
  }
  func.func @transform_0(%arg0: i32, %arg1: memref<4xi32, #tpu.memory_space<smem>>) -> (i32, i32) {
    %get3A = arith.index_cast %arg0 : i32 to index
    %get3A_0 = memref.load %arg1[%get3A] : memref<4xi32, #tpu.memory_space<smem>>
    %jit3A = arith.constant 128 : i32
    %div3A = arith.divsi %get3A_0, %jit3A : i32
    %sign3A = arith.constant 0 : i32
    %sign3A_1 = arith.cmpi sgt, %get3A_0, %sign3A : i32
    %sign3A_2 = arith.extui %sign3A_1 : i1 to i32
    %sign3A_3 = arith.constant 0 : i32
    %sign3A_4 = arith.cmpi slt, %get3A_0, %sign3A_3 : i32
    %sign3A_5 = arith.extui %sign3A_4 : i1 to i32
    %sign3A_6 = arith.subi %sign3A_2, %sign3A_5 : i32
    %sign3A_7 = arith.constant 0 : i32
    %sign3A_8 = arith.cmpi sgt, %jit3A, %sign3A_7 : i32
    %sign3A_9 = arith.extui %sign3A_8 : i1 to i32
    %sign3A_10 = arith.constant 0 : i32
    %sign3A_11 = arith.cmpi slt, %jit3A, %sign3A_10 : i32
    %sign3A_12 = arith.extui %sign3A_11 : i1 to i32
    %sign3A_13 = arith.subi %sign3A_9, %sign3A_12 : i32
    %ne3A = arith.cmpi ne, %sign3A_6, %sign3A_13 : i32
    %rem3A = arith.remsi %get3A_0, %jit3A : i32
    %ne3A_14 = arith.constant 0 : i32
    %ne3A_15 = arith.cmpi ne, %rem3A, %ne3A_14 : i32
    %and3A = arith.andi %ne3A, %ne3A_15 : i1
    %sub3A = arith.constant 1 : i32
    %sub3A_16 = arith.subi %div3A, %sub3A : i32
    %select_n3A = arith.select %and3A, %sub3A_16, %div3A : i32
    %c0_i32 = arith.constant 0 : i32
    %c0_i32_17 = arith.constant 0 : i32
    return %c0_i32, %select_n3A : i32, i32
  }
  func.func @transform_1(%arg0: i32, %arg1: memref<4xi32, #tpu.memory_space<smem>>) -> (i32, i32) {
    %c0_i32 = arith.constant 0 : i32
    %c0_i32_0 = arith.constant 0 : i32
    %c0_i32_1 = arith.constant 0 : i32
    return %c0_i32, %c0_i32_0 : i32, i32
  }
  func.func @transform_3(%arg0: i32, %arg1: memref<4xi32, #tpu.memory_space<smem>>) -> (i32, i32) {
    %get3A = arith.index_cast %arg0 : i32 to index
    %get3A_0 = memref.load %arg1[%get3A] : memref<4xi32, #tpu.memory_space<smem>>
    %jit3A = arith.constant 128 : i32
    %div3A = arith.divsi %get3A_0, %jit3A : i32
    %sign3A = arith.constant 0 : i32
    %sign3A_1 = arith.cmpi sgt, %get3A_0, %sign3A : i32
    %sign3A_2 = arith.extui %sign3A_1 : i1 to i32
    %sign3A_3 = arith.constant 0 : i32
    %sign3A_4 = arith.cmpi slt, %get3A_0, %sign3A_3 : i32
    %sign3A_5 = arith.extui %sign3A_4 : i1 to i32
    %sign3A_6 = arith.subi %sign3A_2, %sign3A_5 : i32
    %sign3A_7 = arith.constant 0 : i32
    %sign3A_8 = arith.cmpi sgt, %jit3A, %sign3A_7 : i32
    %sign3A_9 = arith.extui %sign3A_8 : i1 to i32
    %sign3A_10 = arith.constant 0 : i32
    %sign3A_11 = arith.cmpi slt, %jit3A, %sign3A_10 : i32
    %sign3A_12 = arith.extui %sign3A_11 : i1 to i32
    %sign3A_13 = arith.subi %sign3A_9, %sign3A_12 : i32
    %ne3A = arith.cmpi ne, %sign3A_6, %sign3A_13 : i32
    %rem3A = arith.remsi %get3A_0, %jit3A : i32
    %ne3A_14 = arith.constant 0 : i32
    %ne3A_15 = arith.cmpi ne, %rem3A, %ne3A_14 : i32
    %and3A = arith.andi %ne3A, %ne3A_15 : i1
    %sub3A = arith.constant 1 : i32
    %sub3A_16 = arith.subi %div3A, %sub3A : i32
    %select_n3A = arith.select %and3A, %sub3A_16, %div3A : i32
    %c0_i32 = arith.constant 0 : i32
    %c0_i32_17 = arith.constant 0 : i32
    return %c0_i32, %select_n3A : i32, i32
  }
}

</mosaic_0001>

<sc_bundles>
// kernel: kernel.4.cloned.1.call-start
scs
__scs_entry_jumppad:
0x0: {  	(pc) =	sbr.rel $0x88, $3  }
0x1: {  	(tag) =	ssettag $0x0;
	lr =	simm.s32 $0x1  }
0x2: {  	[smem:$0x3F9E] =	sst lr;
	_ =	strace $0xD0000000  }
0x3: {  	_ = 	snop  }
0x4: {  	_ = 	snop  }
0x5: {  	_ = 	snop  }
0x6: {  	_ = 	snop  }
0x7: {  	_ = 	snop  }
__scs_overlays_trampoline_lowered:
0x8: {  	[smem:$0x3FAD] =	sst s0  }
0x9: {  	[smem:$0x3FAE] =	sst s1  }
0xa: {  	[smem:$0x3FAF] =	sst s2  }
0xb: {  	[smem:$0x3FB0] =	sst s3  }
0xc: {  	[smem:$0x3FB1] =	sst s4  }
0xd: {  	[smem:$0x3FB2] =	sst s5  }
0xe: {  	[smem:$0x3FB3] =	sst s6  }
0xf: {  	[smem:$0x3FB4] =	sst s7  }
0x10: {  	[smem:$0x3FB5] =	sst s8  }
0x11: {  	[smem:$0x3FB6] =	sst s9;
	s0 =	simm.s32 @!p0 $0x0  }
0x12: {  	s1 =	sld [smem:$0x3F9C];
	s0 =	simm.s32 @p0 $0x1  }
0x13: {  	[smem:$0x3FB7] =	sst s0;
	s0 =	simm.s32 @!p1 $0x0  }
0x14: {  	s2 =	sld [smem:$0x3F9B];
	s0 =	simm.s32 @p1 $0x1  }
0x15: {  	[smem:$0x3FB8] =	sst s0;
	s0 =	simm.s32 @!p2 $0x0  }
0x16: {  	s3 =	sld [smem:$0x3FDB];
	s0 =	simm.s32 @p2 $0x1  }
0x17: {  	s4 =	simm.s32 $0x1BF5;
	[smem:$0x3FBA] =	sst s0  }
0x18: {  	s0 =	sld [smem:$0x3F9D];
	_ =	swait.ge [sflag:s4], $0x0  }
0x19: {  	s7 =	sld [smem:$0x3F9E]  }
0x1a: {  	s8 =	sadd.s32 $0xFFFFE003, lr  }
0x1b: {  	s9 =	sadd.s32 $0xFFFFFEF7, lr;
	s5 =	simm.s32 $0xFFFFFFFF;
	p2 =	slt.u32 s8, $0xFFFFF086  }
0x1c: {  	p1 =	slt.u32 s9, $0xF7A;
	s5 =	simm.s32 @!p2 $0x0  }
0x1d: {  	s5 =	simm.s32 @p1 $0x1;
	p0 =	seq.s32 s7, s2  }
0x1e: {  	s7 =	smul.u32 @!p0 $0xF7A, s2;
	p2 =	seq.s32 @!p0 s5, $0x0  }
0x1f: {  	s9 =	smul.u32 $0xF7A, s1;
	s8 =	simm.s32 @!p0 $0x1BF5;
	p2 =	por !p2, p0  }
0x20: {  	[sflag:s8] =	ssyncset.s32 @!p0 $0xFFFFF086;
	s6 =	sadd.s32 @!p0 s3, s7;
	s7 =	simm.s32 @!p0 $0x108  }
0x21: {  	s3 =	sadd.s32 s3, s9;
	s6 =	sadd.s32 @!p0 $0x88, s6;
	s7 =	simm.s32 @p2 $0x1082  }
0x22: {  	[simem:s7], [sflag:s8] =	dma.local @!p0 [hbm:s6], $0xF7A  }
0x23: {  	s9 =	sor.u32 $0xD0000000, s2;
	s6 =	simm.s32 $0x108;
	_ =	swait.ge @!p0 [sflag:s8], $0x0  }
0x24: {  	s3 =	sadd.s32 $0x88, s3;
	s6 =	simm.s32 @!p1 $0x1082;
	[sflag:s4] =	ssyncset.s32 $0xFFFFF086  }
0x25: {  	[simem:s6], [sflag:s4] =	dma.local [hbm:s3], $0xF7A  }
0x26: {  	[smem:$0x3F9E] =	sst s1;
	(tag) =	ssettag s2;
	_ =	strace s9  }
0x27: {  	s1 =	sld [smem:$0x3FAE]  }
0x28: {  	s2 =	sld [smem:$0x3FAF]  }
0x29: {  	s4 =	sld [smem:$0x3FB1]  }
0x2a: {  	p0 =	seq.s32 s5, $0x0;
	s5 =	sld [smem:$0x3FB2]  }
0x2b: {  	s6 =	sld [smem:$0x3FB3]  }
0x2c: {  	s7 =	sld [smem:$0x3FB4]  }
0x2d: {  	s3 =	simm.s32 $0x108;
	s8 =	sld [smem:$0x3FB5]  }
0x2e: {  	s3 =	simm.s32 @!p0 $0x1082;
	s9 =	sld [smem:$0x3FB6]  }
0x2f: {  	lr =	sadd.s32 s0, s3;
	s0 =	sld [smem:$0x3FAD]  }
0x30: {  	s3 =	sld [smem:$0x3FB0]  }
0x31: {  	[smem:$0x3FB9] =	sst s10  }
0x32: {  	s10 =	sld [smem:$0x3FB7];
	_ =	sdelay $0x3  }
0x33: {  	p0 =	seq.s32 s10, $0x1;
	s10 =	sld [smem:$0x3FB9];
	_ =	sdelay $0x3  }
0x34: {  	[smem:$0x3FB9] =	sst s10  }
0x35: {  	s10 =	sld [smem:$0x3FB8];
	_ =	sdelay $0x3  }
0x36: {  	p1 =	seq.s32 s10, $0x1;
	s10 =	sld [smem:$0x3FB9];
	_ =	sdelay $0x3  }
0x37: {  	[smem:$0x3FB9] =	sst s10  }
0x38: {  	s10 =	sld [smem:$0x3FBA]  }
0x39: {  	_ = 	snop;
	(pc) =	sbr.ind lr, $3  }
0x3a: {  	_ = 	snop  }
0x3b: {  	_ = 	snop  }
0x3c: {  	p2 =	seq.s32 s10, $0x1;
	s10 =	sld [smem:$0x3FB9]  }
0x3d: {  	_ =	shalt  }
0x3e: {  	_ =	shalt  }
0x3f: {  	_ =	shalt  }
0x40: {  	_ =	shalt  }
0x41: {  	_ =	shalt  }
0x42: {  	_ =	shalt  }
0x43: {  	_ =	shalt  }
0x44: {  	_ =	shalt  }
0x45: {  	_ =	shalt  }
0x46: {  	_ =	shalt  }
0x47: {  	_ =	shalt  }
0x48: {  	_ =	shalt  }
0x49: {  	_ =	shalt  }
0x4a: {  	_ =	shalt  }
0x4b: {  	_ =	shalt  }
0x4c: {  	_ =	shalt  }
0x4d: {  	_ =	shalt  }
0x4e: {  	_ =	shalt  }
0x4f: {  	_ =	shalt  }
0x50: {  	_ =	shalt  }
0x51: {  	_ =	shalt  }
0x52: {  	_ =	shalt  }
0x53: {  	_ =	shalt  }
0x54: {  	_ =	shalt  }
0x55: {  	_ =	shalt  }
0x56: {  	_ =	shalt  }
0x57: {  	_ =	shalt  }
0x58: {  	_ =	shalt  }
0x59: {  	_ =	shalt  }
0x5a: {  	_ =	shalt  }
0x5b: {  	_ =	shalt  }
0x5c: {  	_ =	shalt  }
0x5d: {  	_ =	shalt  }
0x5e: {  	_ =	shalt  }
0x5f: {  	_ =	shalt  }
0x60: {  	_ =	shalt  }
0x61: {  	_ =	shalt  }
0x62: {  	_ =	shalt  }
0x63: {  	_ =	shalt  }
0x64: {  	_ =	shalt  }
0x65: {  	_ =	shalt  }
0x66: {  	_ =	shalt  }
0x67: {  	_ =	shalt  }
0x68: {  	_ =	shalt  }
0x69: {  	_ =	shalt  }
0x6a: {  	_ =	shalt  }
0x6b: {  	_ =	shalt  }
0x6c: {  	_ =	shalt  }
0x6d: {  	_ =	shalt  }
0x6e: {  	_ =	shalt  }
0x6f: {  	_ =	shalt  }
0x70: {  	_ =	shalt  }
0x71: {  	_ =	shalt  }
0x72: {  	_ =	shalt  }
0x73: {  	_ =	shalt  }
0x74: {  	_ =	shalt  }
0x75: {  	_ =	shalt  }
0x76: {  	_ =	shalt  }
0x77: {  	_ =	shalt  }
0x78: {  	_ =	shalt  }
0x79: {  	_ =	shalt  }
0x7a: {  	_ =	shalt  }
0x7b: {  	_ =	shalt  }
0x7c: {  	_ =	shalt  }
0x7d: {  	_ =	shalt  }
0x7e: {  	_ =	shalt  }
0x7f: {  	_ =	shalt  }
0x80: {  	_ =	shalt  }
0x81: {  	_ =	shalt  }
0x82: {  	_ =	shalt  }
0x83: {  	_ =	shalt  }
0x84: {  	_ =	shalt  }
0x85: {  	_ =	shalt  }
0x86: {  	_ =	shalt  }
0x87: {  	_ =	shalt  }
.Lfunc_end0:
.L_simem_size_0:
called_computation_lowered:
.L_overlay_start_0:
0x88: {  	s2 =	sld [smem:$0x3FD9]  }
0x89: {  	s3 =	sld [smem:$0x3FFE];
	_ =	sdelay $0x1  }
0x8a: {  	s1 =	srdreg.scid  }
0x8b: {  	s0 =	sand.u32 $0x1, s1  }
0x8c: {  	s18 =	sshll.u32 s0, $0xA;
	s2 =	sadd.s32 s3, s2  }
0x8d: {  	s2 =	sadd.s32 s2, s18  }
0x8e: {  	[smem:$0x3FC5] =	sst s2  }
0x8f: {  	_ = 	snop  }
0x90: {  	s2 =	sld [smem:$0x3FC9]  }
0x91: {  	s19 =	sld [smem:$0x3FD0];
	(tm) =	ssettm $0x1  }
0x92: {  	s4 =	sld [smem:$0x3FFB];
	_ =	sdelay $0x3  }
0x93: {  	_ =	strace s4  }
0x94: {  	s4 =	sld [smem:$0x3FFC];
	_ =	sdelay $0x3  }
0x95: {  	_ =	strace s4  }
0x96: {  	s4 =	sld [smem:$0x3FFD];
	_ =	sdelay $0x3  }
0x97: {  	_ =	strace s4  }
0x98: {  	_ =	strace $0x8FFFFFFF  }
0x99: {  	s20 =	sld [smem:$0x3FDB];
	_ =	sdelay $0x1  }
0x9a: {  	s5 =	simm.s32 $_scs_section_size  }
0x9b: {  	s6 =	simm.s32 $_size__tile_overlayer_lowered;
	s7 =	simm.s32 $_tile_overlayer_lowered  }
0x9c: {  	s23 =	simm.s32 $0x1BFF;
	s22 =	sshll.u32 s7, $0x1;
	s4 =	sadd.s32 s5, s20  }
0x9d: {  	s8 =	simm.s32 $0x0;
	s21 =	sshll.u32 s6, $0x1;
	s6 =	sadd.s32 s22, s4  }
0x9e: {  	[timem:s8], [sflag:s23] =	dma.local [hbm:s6], s21  }
0x9f: {  	_ =	swait.ge [sflag:s23], s21  }
0xa0: {  	s5 =	ssub.s32 $0x0, s21;
	[sflag:s23] =	ssyncset.done $0x0  }
0xa1: {  	[sflag:s23] =	ssyncadd.s32 s5;
	_ =	sdelay $0x1  }
0xa2: {  	s24 =	simm.s32 $0x1B8B  }
0xa3: {  	_ =	swait.ge [sflag:s24], $0x1  }
0xa4: {  	[sflag:s24] =	ssyncset.done $0x0  }
0xa5: {  	s25 =	simm.s32 $0x1B8E;
	[sflag:s24] =	ssyncadd.s32 $0xFFFFFFFF  }
0xa6: {  	s26 =	simm.s32 $execute0_lowered;
	[smem:$0x3FD2] =	sst s25  }
0xa7: {  	s5 =	sshll.u32 s26, $0x1;
	_ =	strace $0x80000046;
	[dreg:$0x1] =	wrdreg $0xFFFFFFFF  }
0xa8: {  	s28 =	simm.s32 $_size_execute0_lowered;
	s4 =	sadd.s32 s4, s5;
	[dreg:$0x0] =	wrdreg $0x0  }
0xa9: {  	s5 =	sshll.u32 s28, $0x1;
	[dreg:$0x2] =	wrdreg s4  }
0xaa: {  	[dreg:$0x3] =	wrdreg s5  }
0xab: {  	[dreg:$0x4] =	wrdreg $0xC0  }
0xac: {  	_ =	task [dreg:s8], $0x5FFFF  }
0xad: {  	[dreg:$0x1] =	wrdreg $0xFFFFFFFF  }
0xae: {  	[dreg:$0x0] =	wrdreg $0x60  }
0xaf: {  	[dreg:$0x2] =	wrdreg s2  }
0xb0: {  	[dreg:$0x3] =	wrdreg s19  }
0xb1: {  	[dreg:$0x4] =	wrdreg $0x9  }
0xb2: {  	_ =	task.clear_ibuf [dreg:s8], $0x5FFFF;
	_ =	strace $0x90000046  }
0xb3: {  	s29 =	simm.s32 $0x9;
	_ =	strace $0x80000048  }
0xb4: {  	_ =	swait.ge [sflag:s29], $0x1  }
0xb5: {  	[sflag:s29] =	ssyncadd.s32 $0xFFFFFFFF  }
0xb6: {  	_ =	strace $0x90000048  }
0xb7: {  	_ =	sfence  }
0xb8: {  	s30 =	sld [smem:$0x0];
	_ =	sdelay $0x2  }
0xb9: {  	s31 =	sshll.u32 s1, $0xD;
	s1 =	sshrl.u32 s1, $0x2  }
0xba: {  	s3 =	sand.u32 $0x4000, s31;
	s1 =	sadd.s32 s1, s30  }
0xbb: {  	s0 =	sor.u32 s3, s0;
	s1 =	sshll.u32 s1, $0x11  }
0xbc: {  	s0 =	sor.u32 s1, s0  }
0xbd: {  	s0 =	sadd.s32 $0x8F2B, s0  }
0xbe: {  	[sflag:s0] =	ssyncadd.remote.s32 $0x1  }
0xbf: {  	_ =	sfence.sel $0xFFFF  }
0xc0: {  	[dreg:$0x0] =	wrdreg $0xFFFFFFFF;
	(pc) =	sbr.abs _section_cstart, $3  }
0xc1: {  	[dreg:$0x1] =	wrdreg $0xFFFFFFFF  }
0xc2: {  	_ =	task.clear_ibuf [dreg:s8], $0x2FFFF;
	_ =	strace $0x9FFFFFFF  }
0xc3: {  	(tm) =	ssettm $0x7FFFFFFF  }
tec
execute0_lowered:
.L_overlay_start_1:
0x0: {  	(tag) =	ssettag $0x1  }
0x1: {  	s1 =	rddreg [dreg:$0x0]  }
0x2: {  	s0 =	srdreg.scid;
	s3 =	rddreg [dreg:$0x1]  }
0x3: {  	s24 =	stileid.u32;
	s25 =	rddreg [dreg:$0x2]  }
0x4: {  	s12 =	simm.s32 $0x7C00;
	s14 =	simm.s32 $0x5;
	s13 =	simm.s32 $0x3  }
0x5: {  	s10 =	simm.s32 $0x6;
	s0 =	sand.u32 $0x1, s0;
	s2 =	sshll.u32 s24, $0x1  }
0x6: {  	p2 =	por $0x0, $0x0;
	p0 =	sgt.u32 s24, $0xD;
	s23 =	sor.u32 s0, s2  }
0x7: {  	s2 =	simm.s32 $0x0;
	s0 =	ssub.s32 $0x2, s0;
	s4 =	smul.u32 $0xF80, s23  }
0x8: {  	[smem:$0x7FF] =	sst s2;
	s9 =	sshrl.u32 s0, $0x1;
	p1 =	sne.s32 s23, $0x1F  }
0x9: {  	_ =	strace $0x80000047;
	s0 =	ssub.s32 s0, s9;
	s5 =	sadd.s32 s1, s4  }
0xa: {  	s6 =	sadd.s32 $0x1F000, s4;
	s7 =	sadd.s32 $0x3E000, s4;
	s19 =	sadd.s32 s3, s4  }
0xb: {  	s8 =	sadd.s32 $0x5D000, s4;
	s22 =	sadd.s32 $0x7C000, s4;
	s29 =	sadd.s32 $0x9B000, s4  }
0xc: {  	s31 =	sadd.s32 $0xBA000, s4;
	s4 =	sadd.s32 $0xD9000, s4;
	s0 =	smax.u32 s0, $0x1  }
0xd: {  	[dreg:$0x3] =	wrdreg s5;
	s17 =	sadd.s32 s1, s6;
	s18 =	sadd.s32 s1, s7  }
0xe: {  	[dreg:$0x6] =	wrdreg s19;
	s20 =	sadd.s32 s1, s8;
	s21 =	sadd.s32 s3, s6  }
0xf: {  	s26 =	sadd.s32 s1, s22;
	s28 =	sadd.s32 s3, s7;
	s30 =	sadd.s32 s1, s29  }
0x10: {  	s16 =	sadd.s32 s3, s8;
	s15 =	sadd.s32 s1, s31;
	s11 =	sadd.s32 s3, s22  }
0x11: {  	s9 =	sadd.s32 s1, s4;
	s5 =	sadd.s32 s3, s4;
	[dreg:$0x4] =	wrdreg s17  }
0x12: {  	s4 =	sadd.s32 $0xF4200, s1;
	s1 =	sadd.s32 $0xFFFFFFFF, s0;
	[dreg:$0x5] =	wrdreg s18  }
0x13: {  	s7 =	sadd.s32 s3, s29;
	[dreg:$0x7] =	wrdreg s20;
	p3 =	sne.s32 s1, $0x0  }
.Ltmp0:
0x14: {  	s6 =	sadd.s32 s3, s31;
	[dreg:$0x8] =	wrdreg s21;
	(pc) =	sbr.rel @!p3 .LBB2_1-.Ltmp0, $4  }
0x15: {  	s3 =	sadd.s32 $0xF4200, s3;
	s8 =	simm.s32 $0xF800;
	[dreg:$0x9] =	wrdreg s26  }
0x16: {  	s22 =	simm.s32 $0x4;
	s19 =	simm.s32 $0x8;
	[dreg:$0xa] =	wrdreg s28  }
0x17: {  	[dreg:$0xb] =	wrdreg s30;
	s18 =	simm.s32 $0x1;
	s20 =	simm.s32 $0x17400  }
0x18: {  	s17 =	simm.s32 $0x2;
	s21 =	simm.s32 $0x7;
	s0 =	rddreg [dreg:$0x3]  }
0x19: {  	[tilespmem:s2], [sflag:$0x1] =	stream.linear.gather [hbm4b:s0+s2], $0x7C00, $0x38;
	[tilespmem:$0x1F000] =	vst v63  }
0x1a: {  	s23 =	rddreg [dreg:$0x4]  }
0x1b: {  	[tilespmem:s12], [sflag:$0x2] =	stream.linear.gather [hbm4b:s23+s2], $0x7C00, $0x38;
	[tilespmem:$0x1F000] =	vst v63  }
0x1c: {  	s24 =	rddreg [dreg:$0x5]  }
0x1d: {  	[tilespmem:s8], [sflag:$0x3] =	stream.linear.gather [hbm4b:s24+s2], $0x7C00, $0x38;
	[tilespmem:$0x1F000] =	vst v63  }
0x1e: {  	_ =	swait.ge [sflag:s18], $0x7C00  }
0x1f: {  	[sflag:s18] =	ssyncset.done $0x0  }
0x20: {  	s25 =	rddreg [dreg:$0x6];
	[sflag:s18] =	ssyncadd.s32 $0xFFFF8400  }
0x21: {  	[hbm4b:s25+s2] =	stream.linear.scatter [tilespmem:s2], [sflag:$0x5], $0x7C00, $0x38;
	[tilespmem:$0x1F000] =	vst v63  }
0x22: {  	s26 =	rddreg [dreg:$0x7]  }
0x23: {  	[tilespmem:s20], [sflag:$0x4] =	stream.linear.gather [hbm4b:s26+s2], $0x7C00, $0x38;
	[tilespmem:$0x1F000] =	vst v63  }
0x24: {  	_ =	swait.ge [sflag:s17], $0x7C00  }
0x25: {  	[sflag:s17] =	ssyncset.done $0x0  }
0x26: {  	s23 =	rddreg [dreg:$0x8];
	[sflag:s17] =	ssyncadd.s32 $0xFFFF8400  }
0x27: {  	[hbm4b:s23+s2] =	stream.linear.scatter [tilespmem:s12], [sflag:$0x6], $0x7C00, $0x38;
	[tilespmem:$0x1F000] =	vst v63  }
0x28: {  	_ =	swait.ge [sflag:s14], $0x7C00  }
0x29: {  	[sflag:s14] =	ssyncset.done $0x0  }
0x2a: {  	s24 =	rddreg [dreg:$0x9];
	[sflag:s14] =	ssyncadd.s32 $0xFFFF8400  }
0x2b: {  	[tilespmem:s2], [sflag:$0x1] =	stream.linear.gather [hbm4b:s24+s2], $0x7C00, $0x38;
	[tilespmem:$0x1F000] =	vst v63  }
0x2c: {  	_ =	swait.ge [sflag:s13], $0x7C00  }
0x2d: {  	[sflag:s13] =	ssyncset.done $0x0  }
0x2e: {  	s25 =	rddreg [dreg:$0xa];
	[sflag:s13] =	ssyncadd.s32 $0xFFFF8400  }
0x2f: {  	[hbm4b:s25+s2] =	stream.linear.scatter [tilespmem:s8], [sflag:$0x7], $0x7C00, $0x38;
	[tilespmem:$0x1F000] =	vst v63  }
0x30: {  	_ =	swait.ge [sflag:s10], $0x7C00  }
0x31: {  	[sflag:s10] =	ssyncset.done $0x0  }
0x32: {  	s26 =	rddreg [dreg:$0xb];
	[sflag:s10] =	ssyncadd.s32 $0xFFFF8400  }
0x33: {  	[tilespmem:s12], [sflag:$0x2] =	stream.linear.gather [hbm4b:s26+s2], $0x7C00, $0x38;
	[tilespmem:$0x1F000] =	vst v63  }
0x34: {  	_ =	swait.ge [sflag:s22], $0x7C00  }
0x35: {  	[sflag:s22] =	ssyncset.done $0x0  }
0x36: {  	[sflag:s22] =	ssyncadd.s32 $0xFFFF8400  }
0x37: {  	[hbm4b:s16+s2] =	stream.linear.scatter [tilespmem:s20], [sflag:$0x8], $0x7C00, $0x38;
	[tilespmem:$0x1F000] =	vst v63  }
0x38: {  	_ =	swait.ge [sflag:s21], $0x7C00  }
0x39: {  	[sflag:s21] =	ssyncset.done $0x0  }
0x3a: {  	[sflag:s21] =	ssyncadd.s32 $0xFFFF8400  }
0x3b: {  	[tilespmem:s8], [sflag:$0x3] =	stream.linear.gather [hbm4b:s15+s2], $0x7C00, $0x38;
	[tilespmem:$0x1F000] =	vst v63  }
0x3c: {  	_ =	swait.ge [sflag:s18], $0x7C00  }
0x3d: {  	[sflag:s18] =	ssyncset.done $0x0  }
0x3e: {  	[sflag:s18] =	ssyncadd.s32 $0xFFFF8400  }
0x3f: {  	[hbm4b:s11+s2] =	stream.linear.scatter [tilespmem:s2], [sflag:$0x5], $0x7C00, $0x38;
	[tilespmem:$0x1F000] =	vst v63  }
0x40: {  	_ =	swait.ge [sflag:s19], $0x7C00  }
0x41: {  	[sflag:s19] =	ssyncset.done $0x0  }
0x42: {  	s0 =	simm.s32 @!p0 $0x0;
	s24 =	simm.s32 @!p0 $0x17400;
	[sflag:s19] =	ssyncadd.s32 $0xFFFF8400  }
0x43: {  	[tilespmem:s24], [sflag:$0x4] =	stream.linear.gather @!p0 [hbm4b:s9+s0], $0x7C00, $0x38;
	[tilespmem:$0x1F000] =	vst v63  }
0x44: {  	_ =	swait.ge [sflag:s17], $0x7C00  }
0x45: {  	[sflag:s17] =	ssyncset.done $0x0  }
0x46: {  	[sflag:s17] =	ssyncadd.s32 $0xFFFF8400  }
0x47: {  	[hbm4b:s7+s2] =	stream.linear.scatter [tilespmem:s12], [sflag:$0x6], $0x7C00, $0x38;
	[tilespmem:$0x1F000] =	vst v63  }
0x48: {  	_ =	swait.ge [sflag:s14], $0x7C00  }
0x49: {  	[sflag:s14] =	ssyncset.done $0x0  }
0x4a: {  	[sflag:s14] =	ssyncadd.s32 $0xFFFF8400  }
0x4b: {  	_ =	swait.ge [sflag:s13], $0x7C00  }
0x4c: {  	[sflag:s13] =	ssyncset.done $0x0  }
0x4d: {  	[sflag:s13] =	ssyncadd.s32 $0xFFFF8400  }
0x4e: {  	[hbm4b:s6+s2] =	stream.linear.scatter [tilespmem:s8], [sflag:$0x7], $0x7C00, $0x38;
	[tilespmem:$0x1F000] =	vst v63  }
0x4f: {  	_ =	swait.ge [sflag:s10], $0x7C00  }
0x50: {  	[sflag:s10] =	ssyncset.done $0x0  }
0x51: {  	s25 =	simm.s32 @!p0 $0x4;
	[sflag:s10] =	ssyncadd.s32 $0xFFFF8400  }
0x52: {  	_ =	swait.ge @!p0 [sflag:s25], $0x7C00  }
0x53: {  	[sflag:s25] =	ssyncset.done @!p0 $0x0  }
0x54: {  	s26 =	simm.s32 @!p0 $0x7;
	[sflag:s25] =	ssyncadd.s32 @!p0 $0xFFFF8400  }
0x55: {  	[hbm4b:s5+s0] =	stream.linear.scatter @!p0 [tilespmem:s24], [sflag:$0x8], $0x7C00, $0x38;
	[tilespmem:$0x1F000] =	vst v63  }
0x56: {  	_ =	swait.ge @!p0 [sflag:s26], $0x7C00  }
0x57: {  	s28 =	simm.s32 @!p0 $0x8;
	[sflag:s26] =	ssyncset.done @!p0 $0x0  }
0x58: {  	s28 =	simm.s32 @p0 $0x7;
	[sflag:s26] =	ssyncadd.s32 @!p0 $0xFFFF8400  }
0x59: {  	_ =	swait.ge [sflag:s28], $0x7C00  }
0x5a: {  	s29 =	simm.s32 @!p1 $0x0;
	[sflag:s28] =	ssyncset.done $0x0  }
0x5b: {  	s31 =	simm.s32 @!p1 $0x1;
	s1 =	sadd.s32 $0xFFFFFFFF, s1;
	[sflag:s28] =	ssyncadd.s32 $0xFFFF8400  }
0x5c: {  	[tilespmem:s29], [sflag:$0x1] =	stream.linear.gather @!p1 [hbm4b:s4+s29], $0x400, $0x38;
	[tilespmem:$0x1F000] =	vst v63  }
0x5d: {  	p3 =	sne.s32 s1, $0x0;
	_ =	swait.ge @!p1 [sflag:s31], $0x400  }
.Ltmp1:
0x5e: {  	[sflag:s31] =	ssyncset.done @!p1 $0x0;
	(pc) =	sbr.rel @!p3 .LBB2_3-.Ltmp1, $4  }
0x5f: {  	s30 =	simm.s32 @!p1 $0x5;
	[sflag:s31] =	ssyncadd.s32 @!p1 $0xFFFFFC00  }
0x60: {  	[hbm4b:s3+s29] =	stream.linear.scatter @!p1 [tilespmem:s29], [sflag:$0x5], $0x400, $0x38;
	[tilespmem:$0x1F000] =	vst v63  }
0x61: {  	p2 =	por $0x1, $0x1;
	_ =	swait.ge @!p1 [sflag:s30], $0x400  }
0x62: {  	s23 =	simm.s32 $0x17400;
	s0 =	rddreg [dreg:$0x3];
	[sflag:s30] =	ssyncset.done @!p1 $0x0  }
.LBB2_4:
0x63: {  	[sflag:s30] =	ssyncadd.s32 @!p1 $0xFFFFFC00;
	s20 =	smov.u32 s16  }
0x64: {  	s16 =	smov.u32 s15;
	s15 =	smov.u32 s11;
	s11 =	smov.u32 s9  }
0x65: {  	s9 =	smov.u32 s7;
	s7 =	smov.u32 s6;
	s6 =	smov.u32 s5  }
0x66: {  	[tilespmem:s2], [sflag:$0x1] =	stream.linear.gather [hbm4b:s0+s2], $0x7C00, $0x38;
	[tilespmem:$0x1F000] =	vst v63  }
0x67: {  	s5 =	smov.u32 s4;
	s4 =	smov.u32 s3;
	s3 =	rddreg [dreg:$0x4]  }
0x68: {  	[tilespmem:s12], [sflag:$0x2] =	stream.linear.gather [hbm4b:s3+s2], $0x7C00, $0x38;
	[tilespmem:$0x1F000] =	vst v63  }
0x69: {  	s0 =	rddreg [dreg:$0x5]  }
0x6a: {  	[tilespmem:s8], [sflag:$0x3] =	stream.linear.gather [hbm4b:s0+s2], $0x7C00, $0x38;
	[tilespmem:$0x1F000] =	vst v63  }
0x6b: {  	_ =	swait.ge [sflag:s18], $0x7C00  }
0x6c: {  	[sflag:s18] =	ssyncset.done $0x0  }
0x6d: {  	s0 =	rddreg [dreg:$0x6];
	[sflag:s18] =	ssyncadd.s32 $0xFFFF8400  }
0x6e: {  	[hbm4b:s0+s2] =	stream.linear.scatter [tilespmem:s2], [sflag:$0x5], $0x7C00, $0x38;
	[tilespmem:$0x1F000] =	vst v63  }
0x6f: {  	s3 =	rddreg [dreg:$0x7]  }
0x70: {  	[tilespmem:s23], [sflag:$0x4] =	stream.linear.gather [hbm4b:s3+s2], $0x7C00, $0x38;
	[tilespmem:$0x1F000] =	vst v63  }
0x71: {  	_ =	swait.ge [sflag:s17], $0x7C00  }
0x72: {  	[sflag:s17] =	ssyncset.done $0x0  }
0x73: {  	s0 =	rddreg [dreg:$0x8];
	[sflag:s17] =	ssyncadd.s32 $0xFFFF8400  }
0x74: {  	[hbm4b:s0+s2] =	stream.linear.scatter [tilespmem:s12], [sflag:$0x6], $0x7C00, $0x38;
	[tilespmem:$0x1F000] =	vst v63  }
0x75: {  	_ =	swait.ge [sflag:s14], $0x7C00  }
0x76: {  	[sflag:s14] =	ssyncset.done $0x0  }
0x77: {  	s0 =	rddreg [dreg:$0x9];
	[sflag:s14] =	ssyncadd.s32 $0xFFFF8400  }
0x78: {  	[tilespmem:s2], [sflag:$0x1] =	stream.linear.gather [hbm4b:s0+s2], $0x7C00, $0x38;
	[tilespmem:$0x1F000] =	vst v63  }
0x79: {  	_ =	swait.ge [sflag:s13], $0x7C00  }
0x7a: {  	[sflag:s13] =	ssyncset.done $0x0  }
0x7b: {  	s0 =	rddreg [dreg:$0xa];
	[sflag:s13] =	ssyncadd.s32 $0xFFFF8400  }
0x7c: {  	[hbm4b:s0+s2] =	stream.linear.scatter [tilespmem:s8], [sflag:$0x7], $0x7C00, $0x38;
	[tilespmem:$0x1F000] =	vst v63  }
0x7d: {  	_ =	swait.ge [sflag:s10], $0x7C00  }
0x7e: {  	[sflag:s10] =	ssyncset.done $0x0  }
0x7f: {  	s0 =	rddreg [dreg:$0xb];
	[sflag:s10] =	ssyncadd.s32 $0xFFFF8400  }
0x80: {  	[tilespmem:s12], [sflag:$0x2] =	stream.linear.gather [hbm4b:s0+s2], $0x7C00, $0x38;
	[tilespmem:$0x1F000] =	vst v63  }
0x81: {  	_ =	swait.ge [sflag:s22], $0x7C00  }
0x82: {  	[sflag:s22] =	ssyncset.done $0x0  }
0x83: {  	s3 =	smov.u32 s4;
	s4 =	smov.u32 s5;
	[sflag:s22] =	ssyncadd.s32 $0xFFFF8400  }
0x84: {  	[hbm4b:s20+s2] =	stream.linear.scatter [tilespmem:s23], [sflag:$0x8], $0x7C00, $0x38;
	[tilespmem:$0x1F000] =	vst v63  }
0x85: {  	s5 =	smov.u32 s6;
	s6 =	smov.u32 s7;
	_ =	swait.ge [sflag:s21], $0x7C00  }
0x86: {  	s7 =	smov.u32 s9;
	s9 =	smov.u32 s11;
	[sflag:s21] =	ssyncset.done $0x0  }
0x87: {  	s11 =	smov.u32 s15;
	s15 =	smov.u32 s16;
	[sflag:s21] =	ssyncadd.s32 $0xFFFF8400  }
0x88: {  	[tilespmem:s8], [sflag:$0x3] =	stream.linear.gather [hbm4b:s15+s2], $0x7C00, $0x38;
	[tilespmem:$0x1F000] =	vst v63  }
0x89: {  	_ =	swait.ge [sflag:s18], $0x7C00  }
0x8a: {  	[sflag:s18] =	ssyncset.done $0x0  }
0x8b: {  	[sflag:s18] =	ssyncadd.s32 $0xFFFF8400  }
0x8c: {  	[hbm4b:s11+s2] =	stream.linear.scatter [tilespmem:s2], [sflag:$0x5], $0x7C00, $0x38;
	[tilespmem:$0x1F000] =	vst v63  }
0x8d: {  	_ =	swait.ge [sflag:s19], $0x7C00  }
0x8e: {  	[sflag:s19] =	ssyncset.done $0x0  }
0x8f: {  	s0 =	simm.s32 @!p0 $0x0;
	[sflag:s19] =	ssyncadd.s32 $0xFFFF8400  }
0x90: {  	[tilespmem:s24], [sflag:$0x4] =	stream.linear.gather @!p0 [hbm4b:s9+s0], $0x7C00, $0x38;
	[tilespmem:$0x1F000] =	vst v63  }
0x91: {  	_ =	swait.ge [sflag:s17], $0x7C00  }
0x92: {  	[sflag:s17] =	ssyncset.done $0x0  }
0x93: {  	[sflag:s17] =	ssyncadd.s32 $0xFFFF8400  }
0x94: {  	[hbm4b:s7+s2] =	stream.linear.scatter [tilespmem:s12], [sflag:$0x6], $0x7C00, $0x38;
	[tilespmem:$0x1F000] =	vst v63  }
0x95: {  	_ =	swait.ge [sflag:s14], $0x7C00  }
0x96: {  	[sflag:s14] =	ssyncset.done $0x0  }
0x97: {  	[sflag:s14] =	ssyncadd.s32 $0xFFFF8400  }
0x98: {  	_ =	swait.ge [sflag:s13], $0x7C00  }
0x99: {  	[sflag:s13] =	ssyncset.done $0x0  }
0x9a: {  	[sflag:s13] =	ssyncadd.s32 $0xFFFF8400  }
0x9b: {  	[hbm4b:s6+s2] =	stream.linear.scatter [tilespmem:s8], [sflag:$0x7], $0x7C00, $0x38;
	[tilespmem:$0x1F000] =	vst v63  }
0x9c: {  	_ =	swait.ge [sflag:s10], $0x7C00  }
0x9d: {  	[sflag:s10] =	ssyncset.done $0x0  }
0x9e: {  	[sflag:s10] =	ssyncadd.s32 $0xFFFF8400  }
0x9f: {  	_ =	swait.ge @!p0 [sflag:s25], $0x7C00  }
0xa0: {  	[sflag:s25] =	ssyncset.done @!p0 $0x0  }
0xa1: {  	[sflag:s25] =	ssyncadd.s32 @!p0 $0xFFFF8400  }
0xa2: {  	[hbm4b:s5+s0] =	stream.linear.scatter @!p0 [tilespmem:s24], [sflag:$0x8], $0x7C00, $0x38;
	[tilespmem:$0x1F000] =	vst v63  }
0xa3: {  	_ =	swait.ge @!p0 [sflag:s26], $0x7C00  }
0xa4: {  	[sflag:s26] =	ssyncset.done @!p0 $0x0  }
0xa5: {  	[sflag:s26] =	ssyncadd.s32 @!p0 $0xFFFF8400  }
0xa6: {  	_ =	swait.ge [sflag:s28], $0x7C00  }
0xa7: {  	[sflag:s28] =	ssyncset.done $0x0  }
0xa8: {  	s1 =	sadd.s32 $0xFFFFFFFF, s1;
	[sflag:s28] =	ssyncadd.s32 $0xFFFF8400  }
0xa9: {  	[tilespmem:s29], [sflag:$0x1] =	stream.linear.gather @!p1 [hbm4b:s4+s29], $0x400, $0x38;
	[tilespmem:$0x1F000] =	vst v63  }
0xaa: {  	p3 =	sne.s32 s1, $0x0;
	_ =	swait.ge @!p1 [sflag:s31], $0x400  }
.Ltmp2:
0xab: {  	[sflag:s31] =	ssyncset.done @!p1 $0x0;
	(pc) =	sbr.rel @p3 .LBB2_4-.Ltmp2, $4  }
0xac: {  	[sflag:s31] =	ssyncadd.s32 @!p1 $0xFFFFFC00  }
0xad: {  	[hbm4b:s3+s29] =	stream.linear.scatter @!p1 [tilespmem:s29], [sflag:$0x5], $0x400, $0x38;
	[tilespmem:$0x1F000] =	vst v63  }
0xae: {  	_ =	swait.ge @!p1 [sflag:s30], $0x400  }
0xaf: {  	s16 =	smov.u32 s20;
	s0 =	rddreg [dreg:$0x3];
	[sflag:s30] =	ssyncset.done @!p1 $0x0  }
0xb0: {  	s24 =	stileid.u32;
	s25 =	rddreg [dreg:$0x2];
	s20 =	simm.s32 $0x17400  }
.LBB2_6:
0xb1: {  	p2 =	por p1, !p2  }
0xb2: {  	[sflag:s30] =	ssyncadd.s32 @!p2 $0xFFFFFC00  }
0xb3: {  	[tilespmem:s2], [sflag:$0x1] =	stream.linear.gather [hbm4b:s0+s2], $0x7C00, $0x38;
	[tilespmem:$0x1F000] =	vst v63  }
0xb4: {  	s1 =	rddreg [dreg:$0x4]  }
0xb5: {  	[tilespmem:s12], [sflag:$0x2] =	stream.linear.gather [hbm4b:s1+s2], $0x7C00, $0x38;
	[tilespmem:$0x1F000] =	vst v63  }
0xb6: {  	s31 =	rddreg [dreg:$0x5]  }
0xb7: {  	[tilespmem:s8], [sflag:$0x3] =	stream.linear.gather [hbm4b:s31+s2], $0x7C00, $0x38;
	[tilespmem:$0x1F000] =	vst v63  }
0xb8: {  	_ =	swait.ge [sflag:s18], $0x7C00  }
0xb9: {  	[sflag:s18] =	ssyncset.done $0x0  }
0xba: {  	s23 =	rddreg [dreg:$0x6];
	[sflag:s18] =	ssyncadd.s32 $0xFFFF8400  }
0xbb: {  	[hbm4b:s23+s2] =	stream.linear.scatter [tilespmem:s2], [sflag:$0x5], $0x7C00, $0x38;
	[tilespmem:$0x1F000] =	vst v63  }
0xbc: {  	s26 =	rddreg [dreg:$0x7]  }
0xbd: {  	[tilespmem:s20], [sflag:$0x4] =	stream.linear.gather [hbm4b:s26+s2], $0x7C00, $0x38;
	[tilespmem:$0x1F000] =	vst v63  }
0xbe: {  	_ =	swait.ge [sflag:s17], $0x7C00  }
0xbf: {  	[sflag:s17] =	ssyncset.done $0x0  }
0xc0: {  	s28 =	rddreg [dreg:$0x8];
	[sflag:s17] =	ssyncadd.s32 $0xFFFF8400  }
0xc1: {  	[hbm4b:s28+s2] =	stream.linear.scatter [tilespmem:s12], [sflag:$0x6], $0x7C00, $0x38;
	[tilespmem:$0x1F000] =	vst v63  }
0xc2: {  	_ =	swait.ge [sflag:s14], $0x7C00  }
0xc3: {  	[sflag:s14] =	ssyncset.done $0x0  }
0xc4: {  	s29 =	rddreg [dreg:$0x9];
	[sflag:s14] =	ssyncadd.s32 $0xFFFF8400  }
0xc5: {  	[tilespmem:s2], [sflag:$0x1] =	stream.linear.gather [hbm4b:s29+s2], $0x7C00, $0x38;
	[tilespmem:$0x1F000] =	vst v63  }
0xc6: {  	_ =	swait.ge [sflag:s13], $0x7C00  }
0xc7: {  	[sflag:s13] =	ssyncset.done $0x0  }
0xc8: {  	s30 =	rddreg [dreg:$0xa];
	[sflag:s13] =	ssyncadd.s32 $0xFFFF8400  }
0xc9: {  	[hbm4b:s30+s2] =	stream.linear.scatter [tilespmem:s8], [sflag:$0x7], $0x7C00, $0x38;
	[tilespmem:$0x1F000] =	vst v63  }
0xca: {  	_ =	swait.ge [sflag:s10], $0x7C00  }
0xcb: {  	[sflag:s10] =	ssyncset.done $0x0  }
0xcc: {  	s31 =	rddreg [dreg:$0xb];
	[sflag:s10] =	ssyncadd.s32 $0xFFFF8400  }
0xcd: {  	[tilespmem:s12], [sflag:$0x2] =	stream.linear.gather [hbm4b:s31+s2], $0x7C00, $0x38;
	[tilespmem:$0x1F000] =	vst v63  }
0xce: {  	_ =	swait.ge [sflag:s22], $0x7C00  }
0xcf: {  	[sflag:s22] =	ssyncset.done $0x0  }
0xd0: {  	[sflag:s22] =	ssyncadd.s32 $0xFFFF8400  }
0xd1: {  	[hbm4b:s16+s2] =	stream.linear.scatter [tilespmem:s20], [sflag:$0x8], $0x7C00, $0x38;
	[tilespmem:$0x1F000] =	vst v63  }
0xd2: {  	_ =	swait.ge [sflag:s21], $0x7C00  }
0xd3: {  	[sflag:s21] =	ssyncset.done $0x0  }
0xd4: {  	[sflag:s21] =	ssyncadd.s32 $0xFFFF8400  }
0xd5: {  	[tilespmem:s8], [sflag:$0x3] =	stream.linear.gather [hbm4b:s15+s2], $0x7C00, $0x38;
	[tilespmem:$0x1F000] =	vst v63  }
0xd6: {  	_ =	swait.ge [sflag:s18], $0x7C00  }
0xd7: {  	[sflag:s18] =	ssyncset.done $0x0  }
0xd8: {  	[sflag:s18] =	ssyncadd.s32 $0xFFFF8400  }
0xd9: {  	[hbm4b:s11+s2] =	stream.linear.scatter [tilespmem:s2], [sflag:$0x5], $0x7C00, $0x38;
	[tilespmem:$0x1F000] =	vst v63  }
0xda: {  	_ =	swait.ge [sflag:s19], $0x7C00  }
0xdb: {  	[sflag:s19] =	ssyncset.done $0x0  }
0xdc: {  	s0 =	simm.s32 @!p0 $0x0;
	s1 =	simm.s32 @!p0 $0x17400;
	[sflag:s19] =	ssyncadd.s32 $0xFFFF8400  }
0xdd: {  	[tilespmem:s1], [sflag:$0x4] =	stream.linear.gather @!p0 [hbm4b:s9+s0], $0x7C00, $0x38;
	[tilespmem:$0x1F000] =	vst v63  }
0xde: {  	_ =	swait.ge [sflag:s17], $0x7C00  }
0xdf: {  	[sflag:s17] =	ssyncset.done $0x0  }
0xe0: {  	[sflag:s17] =	ssyncadd.s32 $0xFFFF8400  }
0xe1: {  	[hbm4b:s7+s2] =	stream.linear.scatter [tilespmem:s12], [sflag:$0x6], $0x7C00, $0x38;
	[tilespmem:$0x1F000] =	vst v63  }
0xe2: {  	_ =	swait.ge [sflag:s14], $0x7C00  }
0xe3: {  	[sflag:s14] =	ssyncset.done $0x0  }
0xe4: {  	[sflag:s14] =	ssyncadd.s32 $0xFFFF8400  }
0xe5: {  	_ =	swait.ge [sflag:s13], $0x7C00  }
0xe6: {  	[sflag:s13] =	ssyncset.done $0x0  }
0xe7: {  	[sflag:s13] =	ssyncadd.s32 $0xFFFF8400  }
0xe8: {  	[hbm4b:s6+s2] =	stream.linear.scatter [tilespmem:s8], [sflag:$0x7], $0x7C00, $0x38;
	[tilespmem:$0x1F000] =	vst v63  }
0xe9: {  	_ =	swait.ge [sflag:s10], $0x7C00  }
0xea: {  	[sflag:s10] =	ssyncset.done $0x0  }
0xeb: {  	s2 =	simm.s32 @!p0 $0x4;
	[sflag:s10] =	ssyncadd.s32 $0xFFFF8400  }
0xec: {  	_ =	swait.ge @!p0 [sflag:s2], $0x7C00  }
0xed: {  	[sflag:s2] =	ssyncset.done @!p0 $0x0  }
0xee: {  	[sflag:s2] =	ssyncadd.s32 @!p0 $0xFFFF8400;
	s2 =	simm.s32 @!p0 $0x7  }
0xef: {  	[hbm4b:s5+s0] =	stream.linear.scatter @!p0 [tilespmem:s1], [sflag:$0x8], $0x7C00, $0x38;
	[tilespmem:$0x1F000] =	vst v63  }
0xf0: {  	_ =	swait.ge @!p0 [sflag:s2], $0x7C00  }
0xf1: {  	s0 =	simm.s32 @!p0 $0x8;
	[sflag:s2] =	ssyncset.done @!p0 $0x0  }
0xf2: {  	s0 =	simm.s32 @p0 $0x7;
	[sflag:s2] =	ssyncadd.s32 @!p0 $0xFFFF8400  }
0xf3: {  	_ =	swait.ge [sflag:s0], $0x7C00  }
0xf4: {  	[sflag:s0] =	ssyncset.done $0x0  }
0xf5: {  	s1 =	simm.s32 @!p1 $0x1;
	[sflag:s0] =	ssyncadd.s32 $0xFFFF8400;
	s0 =	simm.s32 @!p1 $0x0  }
0xf6: {  	[tilespmem:s0], [sflag:$0x1] =	stream.linear.gather @!p1 [hbm4b:s4+s0], $0x400, $0x38;
	[tilespmem:$0x1F000] =	vst v63  }
0xf7: {  	_ =	swait.ge @!p1 [sflag:s1], $0x400  }
0xf8: {  	[sflag:s1] =	ssyncset.done @!p1 $0x0  }
0xf9: {  	[sflag:s1] =	ssyncadd.s32 @!p1 $0xFFFFFC00;
	s1 =	simm.s32 @!p1 $0x5  }
0xfa: {  	[hbm4b:s3+s0] =	stream.linear.scatter @!p1 [tilespmem:s0], [sflag:$0x5], $0x400, $0x38;
	[tilespmem:$0x1F000] =	vst v63  }
0xfb: {  	_ =	swait.ge @!p1 [sflag:s1], $0x400  }
0xfc: {  	[sflag:s1] =	ssyncset.done @!p1 $0x0  }
0xfd: {  	[sflag:s1] =	ssyncadd.s32 @!p1 $0xFFFFFC00  }
0xfe: {  	_ =	sfence.sel $0x180000  }
0xff: {  	[bflag:$0x0] =	sbarrier.arrive $0xFFFF  }
0x100: {  	p0 =	sne.s32 s24, $0x0;
	_ =	strace $0x90000047  }
0x101: {  	s0 =	sadd.s32 @!p0 $0x100000, s25;
	[bflag:$0x2] =	sbarrier.arrive $0xFFFF  }
0x102: {  	[sflag:s0] =	ssyncadd.tile.s32 @!p0 $0x1;
	_ =	shalt  }
.LBB2_1:
.Ltmp3:
0x103: {  	(pc) =	sbr.rel .LBB2_6-.Ltmp3, $2  }
0x104: {  	_ =	sdelay $0x2  }
0x105: {  	_ = 	snop  }
.LBB2_3:
.Ltmp4:
0x106: {  	(pc) =	sbr.rel .LBB2_6-.Ltmp4, $2  }
0x107: {  	_ =	sdelay $0x2  }
0x108: {  	s24 =	stileid.u32;
	s25 =	rddreg [dreg:$0x2];
	s20 =	simm.s32 $0x17400  }
.Lfunc_end2:
_tile_overlayer_lowered:
.L_overlay_start_2:
0x109: {  	(tag) =	ssettag $0x2  }
0x10a: {  	s0 =	rddreg [dreg:$0x0];
	s2 =	stileid.u32  }
0x10b: {  	s1 =	rddreg [dreg:$0x1];
	p0 =	sne.s32 s2, $0x0  }
0x10c: {  	s3 =	rddreg [dreg:$0x2];
	[bflag:$0x3] =	sbarrier.arrive $0xFFFF;
	s2 =	simm.s32 @!p0 $0x1C09  }
0x10d: {  	[timem:s3], [sflag:s2] =	dma.local @!p0 [hbm:s0], s1  }
0x10e: {  	s0 =	simm.s32 @!p0 $0x9  }
0x10f: {  	_ =	swait.ge @!p0 [sflag:s0], s1  }
0x110: {  	s1 =	ssub.s32 @!p0 $0x0, s1;
	[sflag:s0] =	ssyncset.done @!p0 $0x0  }
0x111: {  	[sflag:s0] =	ssyncadd.s32 @!p0 s1  }
0x112: {  	[bflag:$0x3] =	sbarrier.arrive $0xFFFF  }
0x113: {  	_ =	shalt  }

</sc_bundles>
